<compile_context>
chip_gen: v7x
topology: tpu7x:2x2x1
jax: 0.10.2.dev20260603
libtpu: 0.0.44.dev20260713+nightly
codegen_flags: <defaults>
</compile_context>

<pallas_src>
import dataclasses
import functools

import jax
import jax.numpy as jnp
from jax import lax
from jax.experimental import pallas as pl
from jax.experimental.pallas import tpu as pltpu
from jax.experimental.pallas import tpu_sc as plsc

_N = 100000
_NP = 100096
_E = 6400000
_CHUNK = 2048
_NCHUNKS = _E // _CHUNK
_NW = 32
_NPT = _NP // 16


def _sc_forces(xp, yp, zp, ex, ey, ez, zeros1, a2, b2, f1):
    mesh = plsc.VectorSubcoreMesh(core_axis_name="c", subcore_axis_name="s")
    cp = pltpu.CompilerParams()
    if "needs_layout_passes" in pltpu.CompilerParams.__dataclass_fields__:
        cp = dataclasses.replace(cp, needs_layout_passes=False,
                                 use_tc_tiling_on_sc=False)

    f32 = jnp.float32
    scratch = [pltpu.VMEM((_CHUNK,), jnp.int32),
               pltpu.VMEM((_CHUNK,), jnp.int32)]
    for _ in range(13):
        scratch.append(pltpu.VMEM((_CHUNK,), f32))
    for _ in range(6):
        scratch.append(pltpu.VMEM_SHARED((_NP,), f32))
    scratch.append(pltpu.SemaphoreType.DMA)
    scratch.append(pltpu.SemaphoreType.DMA)

    @functools.partial(
        pl.kernel,
        mesh=mesh,
        compiler_params=cp,
        out_type=jax.ShapeDtypeStruct((6 * _NP,), f32),
        scratch_types=scratch,
    )
    def k(x_hbm, y_hbm, z_hbm, ex_hbm, ey_hbm, ez_hbm, zer_hbm,
          a_hbm, b_hbm, f_hbm, out_hbm, *scr):
        aix, bix, fbuf = scr[0:3]
        pxa, pya, pza, pxb, pyb, pzb = scr[3:9]
        fax, fay, faz, fbx, fby, fbz = scr[9:15]
        psx, psy, psz, asx, asy, asz = scr[15:21]
        sem_g, sem_s = scr[21:23]

        c = lax.axis_index("c")
        s = lax.axis_index("s")
        wid = c * 16 + s
        r0 = s * _NPT
        sl = pl.ds(r0, _NPT)

        pltpu.sync_copy(x_hbm.at[sl], psx.at[sl])
        pltpu.sync_copy(y_hbm.at[sl], psy.at[sl])
        pltpu.sync_copy(z_hbm.at[sl], psz.at[sl])

        @pl.when(c == 0)
        def _():
            pltpu.sync_copy(ex_hbm.at[sl], asx.at[sl])
            pltpu.sync_copy(ey_hbm.at[sl], asy.at[sl])
            pltpu.sync_copy(ez_hbm.at[sl], asz.at[sl])

        @pl.when(c != 0)
        def _():
            pltpu.sync_copy(zer_hbm.at[sl], asx.at[sl])
            pltpu.sync_copy(zer_hbm.at[sl], asy.at[sl])
            pltpu.sync_copy(zer_hbm.at[sl], asz.at[sl])

        plsc.subcore_barrier()

        rem = _NCHUNKS % _NW
        ng = jnp.where(wid < rem, _NCHUNKS // _NW + 1, _NCHUNKS // _NW)

        @pl.loop(0, ng)
        def _(g):
            cid = g * _NW + wid
            pltpu.sync_copy(a_hbm.at[pl.ds(cid * _CHUNK, _CHUNK)], aix)
            pltpu.sync_copy(b_hbm.at[pl.ds(cid * _CHUNK, _CHUNK)], bix)
            pltpu.sync_copy(f_hbm.at[pl.ds(cid * _CHUNK, _CHUNK)], fbuf)

            gathers = [
                pltpu.async_copy(psx.at[aix], pxa, sem_g),
                pltpu.async_copy(psy.at[aix], pya, sem_g),
                pltpu.async_copy(psz.at[aix], pza, sem_g),
                pltpu.async_copy(psx.at[bix], pxb, sem_g),
                pltpu.async_copy(psy.at[bix], pyb, sem_g),
                pltpu.async_copy(psz.at[bix], pzb, sem_g),
            ]
            for h in gathers:
                h.wait()

            @pl.loop(0, _CHUNK // 16)
            def _(r):
                q = pl.ds(r * 16, 16)
                vx = pxb[q] - pxa[q]
                vy = pyb[q] - pya[q]
                vz = pzb[q] - pza[q]
                d = vx * vx + vy * vy + vz * vz
                bits = lax.bitcast_convert_type(d, jnp.int32)
                y = lax.bitcast_convert_type(
                    jnp.int32(0x5F3759DF) - (bits >> 1), f32)
                y = y * (1.5 - 0.5 * d * y * y)
                y = y * (1.5 - 0.5 * d * y * y)
                y = y * (1.5 - 0.5 * d * y * y)
                sp = fbuf[q] * y
                gx = sp * vx
                gy = sp * vy
                gz = sp * vz
                fbx[q] = gx
                fby[q] = gy
                fbz[q] = gz
                fax[q] = -gx
                fay[q] = -gy
                faz[q] = -gz

            scatters = [
                pltpu.async_copy(fax, asx.at[aix], sem_s, add=True),
                pltpu.async_copy(fay, asy.at[aix], sem_s, add=True),
                pltpu.async_copy(faz, asz.at[aix], sem_s, add=True),
                pltpu.async_copy(fbx, asx.at[bix], sem_s, add=True),
                pltpu.async_copy(fby, asy.at[bix], sem_s, add=True),
                pltpu.async_copy(fbz, asz.at[bix], sem_s, add=True),
            ]
            for h in scatters:
                h.wait()

        plsc.subcore_barrier()
        base = c * 3 * _NP
        pltpu.sync_copy(asx.at[sl], out_hbm.at[pl.ds(base + r0, _NPT)])
        pltpu.sync_copy(asy.at[sl], out_hbm.at[pl.ds(base + _NP + r0, _NPT)])
        pltpu.sync_copy(asz.at[sl],
                        out_hbm.at[pl.ds(base + 2 * _NP + r0, _NPT)])

    return k(xp, yp, zp, ex, ey, ez, zeros1, a2, b2, f1)


def _tc_combine(p0, p1):
    def body(x_ref, y_ref, o_ref):
        o_ref[...] = x_ref[...] + y_ref[...]

    return pl.pallas_call(
        body,
        out_shape=jax.ShapeDtypeStruct(p0.shape, p0.dtype),
    )(p0, p1)


def kernel(points, external_forces, force, edge_index):
    pad = (0, _NP - _N)
    xp = jnp.pad(points[:, 0], pad)
    yp = jnp.pad(points[:, 1], pad)
    zp = jnp.pad(points[:, 2], pad)
    ex = jnp.pad(external_forces[:, 0], pad)
    ey = jnp.pad(external_forces[:, 1], pad)
    ez = jnp.pad(external_forces[:, 2], pad)
    zeros1 = jnp.zeros((_NP,), jnp.float32)
    a2 = edge_index[0]
    b2 = edge_index[1]
    partial = _sc_forces(xp, yp, zp, ex, ey, ez, zeros1, a2, b2, force)
    m = 3 * _NP // 128
    s = _tc_combine(partial[:3 * _NP].reshape(m, 128),
                    partial[3 * _NP:].reshape(m, 128))
    return s.reshape(3, _NP)[:, :_N].T

# --- scband reference (transcript-rebuilt; emitter-appended) ---
"""Pipeline reference for scband-graph-56006373539875 (READ-ONLY COPY).

The authoritative reference and input builder live on the scoring server;
editing this copy changes nothing except your own understanding.
"""

import jax, jax.numpy as jnp
import numpy as np

N = 100000
E = 6400000
D = 3

def setup_inputs(seed: int = 0) -> dict:
    key = jax.random.key(seed)
    k1, k2, k3, k4 = jax.random.split(key, 4)
    points = jax.random.normal(k1, (N, D), dtype=jnp.float32)
    external_forces = jax.random.normal(k2, (N, D), dtype=jnp.float32)
    force = jax.random.normal(k3, (E,), dtype=jnp.float32)
    edge_index = jax.random.randint(k4, (2, E), 0, N, dtype=jnp.int32)
    # avoid self-loops (zero-length connection vectors -> div by zero)
    a = edge_index[0]
    b = edge_index[1]
    b = jnp.where(a == b, (b + 1) % N, b)
    edge_index = jnp.stack([a, b], axis=0)
    return {
        "points": points,
        "external_forces": external_forces,
        "force": force,
        "edge_index": edge_index,
    }

def reference(points, external_forces, force, edge_index):
    # Vectorized form of graph.forces_aggregate():
    # for each connection c: v = points[c.b] - points[c.a];
    #   v_dir = v / ||v||; f_on_a = -c.force * v_dir;
    #   ans[c.a] += f_on_a; ans[c.b] -= f_on_a
    a = edge_index[0]
    b = edge_index[1]
    v = points[b] - points[a]                                   # gather [E, D]
    v_len = jnp.sqrt(jnp.sum(v * v, axis=1, keepdims=True))     # per-edge norm
    v_dir = v / v_len
    force_vec_on_a = -force[:, None] * v_dir                    # [E, D]
    ans = external_forces
    ans = ans.at[a].add(force_vec_on_a)                          # scatter-add
    ans = ans.at[b].add(-force_vec_on_a)                         # scatter-add
    return ans

if __name__ == "__main__":
    import jax
    _d = setup_inputs()
    print(jax.jit(kernel)(*tuple(_d.values())))

</pallas_src>

<mosaic_0001>
#map = affine_map<(d0, d1) -> (0)>
module attributes {stable_mosaic.version = 14 : i64} {
  func.func @k(%arg0: i32, %arg1: i32, %arg2: memref<100096xf32, #tpu.memory_space<hbm>>, %arg3: memref<100096xf32, #tpu.memory_space<hbm>>, %arg4: memref<100096xf32, #tpu.memory_space<hbm>>, %arg5: memref<100096xf32, #tpu.memory_space<hbm>>, %arg6: memref<100096xf32, #tpu.memory_space<hbm>>, %arg7: memref<100096xf32, #tpu.memory_space<hbm>>, %arg8: memref<100096xf32, #tpu.memory_space<hbm>>, %arg9: memref<6400000xi32, #tpu.memory_space<hbm>>, %arg10: memref<6400000xi32, #tpu.memory_space<hbm>>, %arg11: memref<6400000xf32, #tpu.memory_space<hbm>>, %arg12: memref<600576xf32, #tpu.memory_space<hbm>>, %arg13: memref<2048xi32, #tpu.memory_space<vmem>>, %arg14: memref<2048xi32, #tpu.memory_space<vmem>>, %arg15: memref<2048xf32, #tpu.memory_space<vmem>>, %arg16: memref<2048xf32, #tpu.memory_space<vmem>>, %arg17: memref<2048xf32, #tpu.memory_space<vmem>>, %arg18: memref<2048xf32, #tpu.memory_space<vmem>>, %arg19: memref<2048xf32, #tpu.memory_space<vmem>>, %arg20: memref<2048xf32, #tpu.memory_space<vmem>>, %arg21: memref<2048xf32, #tpu.memory_space<vmem>>, %arg22: memref<2048xf32, #tpu.memory_space<vmem>>, %arg23: memref<2048xf32, #tpu.memory_space<vmem>>, %arg24: memref<2048xf32, #tpu.memory_space<vmem>>, %arg25: memref<2048xf32, #tpu.memory_space<vmem>>, %arg26: memref<2048xf32, #tpu.memory_space<vmem>>, %arg27: memref<2048xf32, #tpu.memory_space<vmem>>, %arg28: memref<100096xf32, #tpu.memory_space<vmem_shared>>, %arg29: memref<100096xf32, #tpu.memory_space<vmem_shared>>, %arg30: memref<100096xf32, #tpu.memory_space<vmem_shared>>, %arg31: memref<100096xf32, #tpu.memory_space<vmem_shared>>, %arg32: memref<100096xf32, #tpu.memory_space<vmem_shared>>, %arg33: memref<100096xf32, #tpu.memory_space<vmem_shared>>, %arg34: memref<!tpu.dma_semaphore, #tpu.memory_space<semaphore_mem>>, %arg35: memref<!tpu.dma_semaphore, #tpu.memory_space<semaphore_mem>>) attributes {dimension_semantics = [#tpu.dimension_semantics<core_parallel>, #tpu.dimension_semantics<subcore_parallel>], iteration_bounds = array<i64: 2, 16>, scalar_prefetch = 0 : i64, scratch_operands = 23 : i64, tpu.core_type = #tpu.core_type<sc_vector_subcore>, window_params = [{transform_indices = #map}, {transform_indices = #map}, {transform_indices = #map}, {transform_indices = #map}, {transform_indices = #map}, {transform_indices = #map}, {transform_indices = #map}, {transform_indices = #map}, {transform_indices = #map}, {transform_indices = #map}, {transform_indices = #map}]} {
    %mul3A = arith.constant 16 : i32
    %mul3A_0 = arith.muli %arg0, %mul3A : i32
    %add3A = arith.addi %mul3A_0, %arg1 : i32
    %mul3A_1 = arith.constant 6256 : i32
    %mul3A_2 = arith.muli %arg1, %mul3A_1 : i32
    "tpu.region"() ({
      %run_scoped3A = tpu.sem_alloc : memref<!tpu.dma_semaphore, #tpu.memory_space<semaphore_mem>>
      %dma_start3A = tpu.memref_slice %arg28[%mul3A_2] : memref<100096xf32, #tpu.memory_space<vmem_shared>> -> memref<6256xf32, #tpu.memory_space<vmem_shared>>
      %dma_start3A_39 = tpu.memref_slice %arg2[%mul3A_2] : memref<100096xf32, #tpu.memory_space<hbm>> -> memref<6256xf32, #tpu.memory_space<hbm>>
      tpu.enqueue_dma source(%dma_start3A_39 : memref<6256xf32, #tpu.memory_space<hbm>>) target(%dma_start3A : memref<6256xf32, #tpu.memory_space<vmem_shared>>) target_semaphore(%run_scoped3A : memref<!tpu.dma_semaphore, #tpu.memory_space<semaphore_mem>>)
      %dma_wait3A = tpu.memref_slice %arg28[%mul3A_2] : memref<100096xf32, #tpu.memory_space<vmem_shared>> -> memref<6256xf32, #tpu.memory_space<vmem_shared>>
      %dma_wait3A_40 = tpu.memref_slice %arg2[%mul3A_2] : memref<100096xf32, #tpu.memory_space<hbm>> -> memref<6256xf32, #tpu.memory_space<hbm>>
      tpu.wait_dma2 semaphore(%run_scoped3A : memref<!tpu.dma_semaphore, #tpu.memory_space<semaphore_mem>>) src(%dma_wait3A_40 : memref<6256xf32, #tpu.memory_space<hbm>>) dst(%dma_wait3A : memref<6256xf32, #tpu.memory_space<vmem_shared>>)
      tpu.yield
    }) : () -> ()
    "tpu.region"() ({
      %run_scoped3A = tpu.sem_alloc : memref<!tpu.dma_semaphore, #tpu.memory_space<semaphore_mem>>
      %dma_start3A = tpu.memref_slice %arg29[%mul3A_2] : memref<100096xf32, #tpu.memory_space<vmem_shared>> -> memref<6256xf32, #tpu.memory_space<vmem_shared>>
      %dma_start3A_39 = tpu.memref_slice %arg3[%mul3A_2] : memref<100096xf32, #tpu.memory_space<hbm>> -> memref<6256xf32, #tpu.memory_space<hbm>>
      tpu.enqueue_dma source(%dma_start3A_39 : memref<6256xf32, #tpu.memory_space<hbm>>) target(%dma_start3A : memref<6256xf32, #tpu.memory_space<vmem_shared>>) target_semaphore(%run_scoped3A : memref<!tpu.dma_semaphore, #tpu.memory_space<semaphore_mem>>)
      %dma_wait3A = tpu.memref_slice %arg29[%mul3A_2] : memref<100096xf32, #tpu.memory_space<vmem_shared>> -> memref<6256xf32, #tpu.memory_space<vmem_shared>>
      %dma_wait3A_40 = tpu.memref_slice %arg3[%mul3A_2] : memref<100096xf32, #tpu.memory_space<hbm>> -> memref<6256xf32, #tpu.memory_space<hbm>>
      tpu.wait_dma2 semaphore(%run_scoped3A : memref<!tpu.dma_semaphore, #tpu.memory_space<semaphore_mem>>) src(%dma_wait3A_40 : memref<6256xf32, #tpu.memory_space<hbm>>) dst(%dma_wait3A : memref<6256xf32, #tpu.memory_space<vmem_shared>>)
      tpu.yield
    }) : () -> ()
    "tpu.region"() ({
      %run_scoped3A = tpu.sem_alloc : memref<!tpu.dma_semaphore, #tpu.memory_space<semaphore_mem>>
      %dma_start3A = tpu.memref_slice %arg30[%mul3A_2] : memref<100096xf32, #tpu.memory_space<vmem_shared>> -> memref<6256xf32, #tpu.memory_space<vmem_shared>>
      %dma_start3A_39 = tpu.memref_slice %arg4[%mul3A_2] : memref<100096xf32, #tpu.memory_space<hbm>> -> memref<6256xf32, #tpu.memory_space<hbm>>
      tpu.enqueue_dma source(%dma_start3A_39 : memref<6256xf32, #tpu.memory_space<hbm>>) target(%dma_start3A : memref<6256xf32, #tpu.memory_space<vmem_shared>>) target_semaphore(%run_scoped3A : memref<!tpu.dma_semaphore, #tpu.memory_space<semaphore_mem>>)
      %dma_wait3A = tpu.memref_slice %arg30[%mul3A_2] : memref<100096xf32, #tpu.memory_space<vmem_shared>> -> memref<6256xf32, #tpu.memory_space<vmem_shared>>
      %dma_wait3A_40 = tpu.memref_slice %arg4[%mul3A_2] : memref<100096xf32, #tpu.memory_space<hbm>> -> memref<6256xf32, #tpu.memory_space<hbm>>
      tpu.wait_dma2 semaphore(%run_scoped3A : memref<!tpu.dma_semaphore, #tpu.memory_space<semaphore_mem>>) src(%dma_wait3A_40 : memref<6256xf32, #tpu.memory_space<hbm>>) dst(%dma_wait3A : memref<6256xf32, #tpu.memory_space<vmem_shared>>)
      tpu.yield
    }) : () -> ()
    %eq3A = arith.constant 0 : i32
    %eq3A_3 = arith.cmpi eq, %arg0, %eq3A : i32
    %convert_element_type3A = arith.extui %eq3A_3 : i1 to i32
    %cond3A = arith.constant 0 : i32
    %cond3A_4 = arith.cmpi ne, %convert_element_type3A, %cond3A : i32
    scf.if %cond3A_4 {
      "tpu.region"() ({
        %run_scoped3A = tpu.sem_alloc : memref<!tpu.dma_semaphore, #tpu.memory_space<semaphore_mem>>
        %dma_start3A = tpu.memref_slice %arg31[%mul3A_2] : memref<100096xf32, #tpu.memory_space<vmem_shared>> -> memref<6256xf32, #tpu.memory_space<vmem_shared>>
        %dma_start3A_39 = tpu.memref_slice %arg5[%mul3A_2] : memref<100096xf32, #tpu.memory_space<hbm>> -> memref<6256xf32, #tpu.memory_space<hbm>>
        tpu.enqueue_dma source(%dma_start3A_39 : memref<6256xf32, #tpu.memory_space<hbm>>) target(%dma_start3A : memref<6256xf32, #tpu.memory_space<vmem_shared>>) target_semaphore(%run_scoped3A : memref<!tpu.dma_semaphore, #tpu.memory_space<semaphore_mem>>)
        %dma_wait3A = tpu.memref_slice %arg31[%mul3A_2] : memref<100096xf32, #tpu.memory_space<vmem_shared>> -> memref<6256xf32, #tpu.memory_space<vmem_shared>>
        %dma_wait3A_40 = tpu.memref_slice %arg5[%mul3A_2] : memref<100096xf32, #tpu.memory_space<hbm>> -> memref<6256xf32, #tpu.memory_space<hbm>>
        tpu.wait_dma2 semaphore(%run_scoped3A : memref<!tpu.dma_semaphore, #tpu.memory_space<semaphore_mem>>) src(%dma_wait3A_40 : memref<6256xf32, #tpu.memory_space<hbm>>) dst(%dma_wait3A : memref<6256xf32, #tpu.memory_space<vmem_shared>>)
        tpu.yield
      }) : () -> ()
      "tpu.region"() ({
        %run_scoped3A = tpu.sem_alloc : memref<!tpu.dma_semaphore, #tpu.memory_space<semaphore_mem>>
        %dma_start3A = tpu.memref_slice %arg32[%mul3A_2] : memref<100096xf32, #tpu.memory_space<vmem_shared>> -> memref<6256xf32, #tpu.memory_space<vmem_shared>>
        %dma_start3A_39 = tpu.memref_slice %arg6[%mul3A_2] : memref<100096xf32, #tpu.memory_space<hbm>> -> memref<6256xf32, #tpu.memory_space<hbm>>
        tpu.enqueue_dma source(%dma_start3A_39 : memref<6256xf32, #tpu.memory_space<hbm>>) target(%dma_start3A : memref<6256xf32, #tpu.memory_space<vmem_shared>>) target_semaphore(%run_scoped3A : memref<!tpu.dma_semaphore, #tpu.memory_space<semaphore_mem>>)
        %dma_wait3A = tpu.memref_slice %arg32[%mul3A_2] : memref<100096xf32, #tpu.memory_space<vmem_shared>> -> memref<6256xf32, #tpu.memory_space<vmem_shared>>
        %dma_wait3A_40 = tpu.memref_slice %arg6[%mul3A_2] : memref<100096xf32, #tpu.memory_space<hbm>> -> memref<6256xf32, #tpu.memory_space<hbm>>
        tpu.wait_dma2 semaphore(%run_scoped3A : memref<!tpu.dma_semaphore, #tpu.memory_space<semaphore_mem>>) src(%dma_wait3A_40 : memref<6256xf32, #tpu.memory_space<hbm>>) dst(%dma_wait3A : memref<6256xf32, #tpu.memory_space<vmem_shared>>)
        tpu.yield
      }) : () -> ()
      "tpu.region"() ({
        %run_scoped3A = tpu.sem_alloc : memref<!tpu.dma_semaphore, #tpu.memory_space<semaphore_mem>>
        %dma_start3A = tpu.memref_slice %arg33[%mul3A_2] : memref<100096xf32, #tpu.memory_space<vmem_shared>> -> memref<6256xf32, #tpu.memory_space<vmem_shared>>
        %dma_start3A_39 = tpu.memref_slice %arg7[%mul3A_2] : memref<100096xf32, #tpu.memory_space<hbm>> -> memref<6256xf32, #tpu.memory_space<hbm>>
        tpu.enqueue_dma source(%dma_start3A_39 : memref<6256xf32, #tpu.memory_space<hbm>>) target(%dma_start3A : memref<6256xf32, #tpu.memory_space<vmem_shared>>) target_semaphore(%run_scoped3A : memref<!tpu.dma_semaphore, #tpu.memory_space<semaphore_mem>>)
        %dma_wait3A = tpu.memref_slice %arg33[%mul3A_2] : memref<100096xf32, #tpu.memory_space<vmem_shared>> -> memref<6256xf32, #tpu.memory_space<vmem_shared>>
        %dma_wait3A_40 = tpu.memref_slice %arg7[%mul3A_2] : memref<100096xf32, #tpu.memory_space<hbm>> -> memref<6256xf32, #tpu.memory_space<hbm>>
        tpu.wait_dma2 semaphore(%run_scoped3A : memref<!tpu.dma_semaphore, #tpu.memory_space<semaphore_mem>>) src(%dma_wait3A_40 : memref<6256xf32, #tpu.memory_space<hbm>>) dst(%dma_wait3A : memref<6256xf32, #tpu.memory_space<vmem_shared>>)
        tpu.yield
      }) : () -> ()
    } else {
    }
    %ne3A = arith.constant 0 : i32
    %ne3A_5 = arith.cmpi ne, %arg0, %ne3A : i32
    %convert_element_type3A_6 = arith.extui %ne3A_5 : i1 to i32
    %cond3A_7 = arith.constant 0 : i32
    %cond3A_8 = arith.cmpi ne, %convert_element_type3A_6, %cond3A_7 : i32
    scf.if %cond3A_8 {
      "tpu.region"() ({
        %run_scoped3A = tpu.sem_alloc : memref<!tpu.dma_semaphore, #tpu.memory_space<semaphore_mem>>
        %dma_start3A = tpu.memref_slice %arg31[%mul3A_2] : memref<100096xf32, #tpu.memory_space<vmem_shared>> -> memref<6256xf32, #tpu.memory_space<vmem_shared>>
        %dma_start3A_39 = tpu.memref_slice %arg8[%mul3A_2] : memref<100096xf32, #tpu.memory_space<hbm>> -> memref<6256xf32, #tpu.memory_space<hbm>>
        tpu.enqueue_dma source(%dma_start3A_39 : memref<6256xf32, #tpu.memory_space<hbm>>) target(%dma_start3A : memref<6256xf32, #tpu.memory_space<vmem_shared>>) target_semaphore(%run_scoped3A : memref<!tpu.dma_semaphore, #tpu.memory_space<semaphore_mem>>)
        %dma_wait3A = tpu.memref_slice %arg31[%mul3A_2] : memref<100096xf32, #tpu.memory_space<vmem_shared>> -> memref<6256xf32, #tpu.memory_space<vmem_shared>>
        %dma_wait3A_40 = tpu.memref_slice %arg8[%mul3A_2] : memref<100096xf32, #tpu.memory_space<hbm>> -> memref<6256xf32, #tpu.memory_space<hbm>>
        tpu.wait_dma2 semaphore(%run_scoped3A : memref<!tpu.dma_semaphore, #tpu.memory_space<semaphore_mem>>) src(%dma_wait3A_40 : memref<6256xf32, #tpu.memory_space<hbm>>) dst(%dma_wait3A : memref<6256xf32, #tpu.memory_space<vmem_shared>>)
        tpu.yield
      }) : () -> ()
      "tpu.region"() ({
        %run_scoped3A = tpu.sem_alloc : memref<!tpu.dma_semaphore, #tpu.memory_space<semaphore_mem>>
        %dma_start3A = tpu.memref_slice %arg32[%mul3A_2] : memref<100096xf32, #tpu.memory_space<vmem_shared>> -> memref<6256xf32, #tpu.memory_space<vmem_shared>>
        %dma_start3A_39 = tpu.memref_slice %arg8[%mul3A_2] : memref<100096xf32, #tpu.memory_space<hbm>> -> memref<6256xf32, #tpu.memory_space<hbm>>
        tpu.enqueue_dma source(%dma_start3A_39 : memref<6256xf32, #tpu.memory_space<hbm>>) target(%dma_start3A : memref<6256xf32, #tpu.memory_space<vmem_shared>>) target_semaphore(%run_scoped3A : memref<!tpu.dma_semaphore, #tpu.memory_space<semaphore_mem>>)
        %dma_wait3A = tpu.memref_slice %arg32[%mul3A_2] : memref<100096xf32, #tpu.memory_space<vmem_shared>> -> memref<6256xf32, #tpu.memory_space<vmem_shared>>
        %dma_wait3A_40 = tpu.memref_slice %arg8[%mul3A_2] : memref<100096xf32, #tpu.memory_space<hbm>> -> memref<6256xf32, #tpu.memory_space<hbm>>
        tpu.wait_dma2 semaphore(%run_scoped3A : memref<!tpu.dma_semaphore, #tpu.memory_space<semaphore_mem>>) src(%dma_wait3A_40 : memref<6256xf32, #tpu.memory_space<hbm>>) dst(%dma_wait3A : memref<6256xf32, #tpu.memory_space<vmem_shared>>)
        tpu.yield
      }) : () -> ()
      "tpu.region"() ({
        %run_scoped3A = tpu.sem_alloc : memref<!tpu.dma_semaphore, #tpu.memory_space<semaphore_mem>>
        %dma_start3A = tpu.memref_slice %arg33[%mul3A_2] : memref<100096xf32, #tpu.memory_space<vmem_shared>> -> memref<6256xf32, #tpu.memory_space<vmem_shared>>
        %dma_start3A_39 = tpu.memref_slice %arg8[%mul3A_2] : memref<100096xf32, #tpu.memory_space<hbm>> -> memref<6256xf32, #tpu.memory_space<hbm>>
        tpu.enqueue_dma source(%dma_start3A_39 : memref<6256xf32, #tpu.memory_space<hbm>>) target(%dma_start3A : memref<6256xf32, #tpu.memory_space<vmem_shared>>) target_semaphore(%run_scoped3A : memref<!tpu.dma_semaphore, #tpu.memory_space<semaphore_mem>>)
        %dma_wait3A = tpu.memref_slice %arg33[%mul3A_2] : memref<100096xf32, #tpu.memory_space<vmem_shared>> -> memref<6256xf32, #tpu.memory_space<vmem_shared>>
        %dma_wait3A_40 = tpu.memref_slice %arg8[%mul3A_2] : memref<100096xf32, #tpu.memory_space<hbm>> -> memref<6256xf32, #tpu.memory_space<hbm>>
        tpu.wait_dma2 semaphore(%run_scoped3A : memref<!tpu.dma_semaphore, #tpu.memory_space<semaphore_mem>>) src(%dma_wait3A_40 : memref<6256xf32, #tpu.memory_space<hbm>>) dst(%dma_wait3A : memref<6256xf32, #tpu.memory_space<vmem_shared>>)
        tpu.yield
      }) : () -> ()
    } else {
    }
    %barrier3A = arith.constant 0 : index
    tpu.barrier barrier_id(%barrier3A)
    %lt3A = arith.constant 21 : i32
    %lt3A_9 = arith.cmpi slt, %add3A, %lt3A : i32
    %jit3A = arith.constant 98 : i32
    %jit3A_10 = arith.constant 97 : i32
    %select_n3A = arith.select %lt3A_9, %jit3A, %jit3A_10 : i32
    %sub3A = arith.constant 0 : i32
    %sub3A_11 = arith.subi %select_n3A, %sub3A : i32
    %sub3A_12 = arith.constant 1 : i32
    %sub3A_13 = arith.constant 1 : i32
    %sub3A_14 = arith.subi %sub3A_12, %sub3A_13 : i32
    %add3A_15 = arith.addi %sub3A_11, %sub3A_14 : i32
    %div3A = arith.constant 1 : i32
    %div3A_16 = arith.divsi %add3A_15, %div3A : i32
    %while3A = arith.constant 1 : i32
    %while3A_17 = arith.constant 0 : i32
    %while3A_18 = arith.constant 0 : i32
    %while3A_19 = arith.subi %div3A_16, %while3A_18 : i32
    %while3A_20 = arith.addi %while3A_18, %while3A_19 : i32
    %while3A_21 = arith.constant 1 : i32
    %while3A_22 = arith.divsi %while3A_19, %while3A_21 : i32
    %while3A_23 = arith.muli %while3A_22, %while3A_21 : i32
    %while3A_24 = arith.addi %while3A_18, %while3A_23 : i32
    %while3A_25 = arith.constant 1 : i32
    scf.for %while3A_39 = %while3A_18 to %while3A_24 step %while3A_25  : i32 {
      %mul3A_40 = arith.muli %while3A_39, %while3A : i32
      %add3A_41 = arith.addi %while3A_17, %mul3A_40 : i32
      %mul3A_42 = arith.constant 32 : i32
      %mul3A_43 = arith.muli %add3A_41, %mul3A_42 : i32
      %add3A_44 = arith.addi %mul3A_43, %add3A : i32
      %mul3A_45 = arith.constant 2048 : i32
      %mul3A_46 = arith.muli %add3A_44, %mul3A_45 : i32
      "tpu.region"() ({
        %run_scoped3A = tpu.sem_alloc : memref<!tpu.dma_semaphore, #tpu.memory_space<semaphore_mem>>
        %dma_start3A_101 = tpu.memref_slice %arg9[%mul3A_46] : memref<6400000xi32, #tpu.memory_space<hbm>> -> memref<2048xi32, #tpu.memory_space<hbm>>
        %dma_start3A_102 = tpu.memref_slice %arg9[%mul3A_46] : memref<6400000xi32, #tpu.memory_space<hbm>> -> memref<2048xi32, #tpu.memory_space<hbm>>
        tpu.enqueue_dma source(%dma_start3A_102 : memref<2048xi32, #tpu.memory_space<hbm>>) target(%arg13 : memref<2048xi32, #tpu.memory_space<vmem>>) target_semaphore(%run_scoped3A : memref<!tpu.dma_semaphore, #tpu.memory_space<semaphore_mem>>)
        %dma_wait3A_103 = tpu.memref_slice %arg9[%mul3A_46] : memref<6400000xi32, #tpu.memory_space<hbm>> -> memref<2048xi32, #tpu.memory_space<hbm>>
        %dma_wait3A_104 = tpu.memref_slice %arg9[%mul3A_46] : memref<6400000xi32, #tpu.memory_space<hbm>> -> memref<2048xi32, #tpu.memory_space<hbm>>
        tpu.wait_dma2 semaphore(%run_scoped3A : memref<!tpu.dma_semaphore, #tpu.memory_space<semaphore_mem>>) src(%dma_wait3A_104 : memref<2048xi32, #tpu.memory_space<hbm>>) dst(%arg13 : memref<2048xi32, #tpu.memory_space<vmem>>)
        tpu.yield
      }) : () -> ()
      %mul3A_47 = arith.constant 2048 : i32
      %mul3A_48 = arith.muli %add3A_44, %mul3A_47 : i32
      "tpu.region"() ({
        %run_scoped3A = tpu.sem_alloc : memref<!tpu.dma_semaphore, #tpu.memory_space<semaphore_mem>>
        %dma_start3A_101 = tpu.memref_slice %arg10[%mul3A_48] : memref<6400000xi32, #tpu.memory_space<hbm>> -> memref<2048xi32, #tpu.memory_space<hbm>>
        %dma_start3A_102 = tpu.memref_slice %arg10[%mul3A_48] : memref<6400000xi32, #tpu.memory_space<hbm>> -> memref<2048xi32, #tpu.memory_space<hbm>>
        tpu.enqueue_dma source(%dma_start3A_102 : memref<2048xi32, #tpu.memory_space<hbm>>) target(%arg14 : memref<2048xi32, #tpu.memory_space<vmem>>) target_semaphore(%run_scoped3A : memref<!tpu.dma_semaphore, #tpu.memory_space<semaphore_mem>>)
        %dma_wait3A_103 = tpu.memref_slice %arg10[%mul3A_48] : memref<6400000xi32, #tpu.memory_space<hbm>> -> memref<2048xi32, #tpu.memory_space<hbm>>
        %dma_wait3A_104 = tpu.memref_slice %arg10[%mul3A_48] : memref<6400000xi32, #tpu.memory_space<hbm>> -> memref<2048xi32, #tpu.memory_space<hbm>>
        tpu.wait_dma2 semaphore(%run_scoped3A : memref<!tpu.dma_semaphore, #tpu.memory_space<semaphore_mem>>) src(%dma_wait3A_104 : memref<2048xi32, #tpu.memory_space<hbm>>) dst(%arg14 : memref<2048xi32, #tpu.memory_space<vmem>>)
        tpu.yield
      }) : () -> ()
      %mul3A_49 = arith.constant 2048 : i32
      %mul3A_50 = arith.muli %add3A_44, %mul3A_49 : i32
      "tpu.region"() ({
        %run_scoped3A = tpu.sem_alloc : memref<!tpu.dma_semaphore, #tpu.memory_space<semaphore_mem>>
        %dma_start3A_101 = tpu.memref_slice %arg11[%mul3A_50] : memref<6400000xf32, #tpu.memory_space<hbm>> -> memref<2048xf32, #tpu.memory_space<hbm>>
        %dma_start3A_102 = tpu.memref_slice %arg11[%mul3A_50] : memref<6400000xf32, #tpu.memory_space<hbm>> -> memref<2048xf32, #tpu.memory_space<hbm>>
        tpu.enqueue_dma source(%dma_start3A_102 : memref<2048xf32, #tpu.memory_space<hbm>>) target(%arg15 : memref<2048xf32, #tpu.memory_space<vmem>>) target_semaphore(%run_scoped3A : memref<!tpu.dma_semaphore, #tpu.memory_space<semaphore_mem>>)
        %dma_wait3A_103 = tpu.memref_slice %arg11[%mul3A_50] : memref<6400000xf32, #tpu.memory_space<hbm>> -> memref<2048xf32, #tpu.memory_space<hbm>>
        %dma_wait3A_104 = tpu.memref_slice %arg11[%mul3A_50] : memref<6400000xf32, #tpu.memory_space<hbm>> -> memref<2048xf32, #tpu.memory_space<hbm>>
        tpu.wait_dma2 semaphore(%run_scoped3A : memref<!tpu.dma_semaphore, #tpu.memory_space<semaphore_mem>>) src(%dma_wait3A_104 : memref<2048xf32, #tpu.memory_space<hbm>>) dst(%arg15 : memref<2048xf32, #tpu.memory_space<vmem>>)
        tpu.yield
      }) : () -> ()
      %dma_start3A = arith.constant 0 : i32
      %dma_start3A_51 = tpu.memref_slice %arg28[%dma_start3A] : memref<100096xf32, #tpu.memory_space<vmem_shared>> -> memref<100096xf32, #tpu.memory_space<vmem_shared>>
      tpu.enqueue_indirect_dma source(%dma_start3A_51 : memref<100096xf32, #tpu.memory_space<vmem_shared>>) target(%arg16 : memref<2048xf32, #tpu.memory_space<vmem>>) offsets(%arg13 : memref<2048xi32, #tpu.memory_space<vmem>>) semaphore(%arg34 : memref<!tpu.dma_semaphore, #tpu.memory_space<semaphore_mem>>)
      %dma_start3A_52 = arith.constant 0 : i32
      %dma_start3A_53 = tpu.memref_slice %arg29[%dma_start3A_52] : memref<100096xf32, #tpu.memory_space<vmem_shared>> -> memref<100096xf32, #tpu.memory_space<vmem_shared>>
      tpu.enqueue_indirect_dma source(%dma_start3A_53 : memref<100096xf32, #tpu.memory_space<vmem_shared>>) target(%arg17 : memref<2048xf32, #tpu.memory_space<vmem>>) offsets(%arg13 : memref<2048xi32, #tpu.memory_space<vmem>>) semaphore(%arg34 : memref<!tpu.dma_semaphore, #tpu.memory_space<semaphore_mem>>)
      %dma_start3A_54 = arith.constant 0 : i32
      %dma_start3A_55 = tpu.memref_slice %arg30[%dma_start3A_54] : memref<100096xf32, #tpu.memory_space<vmem_shared>> -> memref<100096xf32, #tpu.memory_space<vmem_shared>>
      tpu.enqueue_indirect_dma source(%dma_start3A_55 : memref<100096xf32, #tpu.memory_space<vmem_shared>>) target(%arg18 : memref<2048xf32, #tpu.memory_space<vmem>>) offsets(%arg13 : memref<2048xi32, #tpu.memory_space<vmem>>) semaphore(%arg34 : memref<!tpu.dma_semaphore, #tpu.memory_space<semaphore_mem>>)
      %dma_start3A_56 = arith.constant 0 : i32
      %dma_start3A_57 = tpu.memref_slice %arg28[%dma_start3A_56] : memref<100096xf32, #tpu.memory_space<vmem_shared>> -> memref<100096xf32, #tpu.memory_space<vmem_shared>>
      tpu.enqueue_indirect_dma source(%dma_start3A_57 : memref<100096xf32, #tpu.memory_space<vmem_shared>>) target(%arg19 : memref<2048xf32, #tpu.memory_space<vmem>>) offsets(%arg14 : memref<2048xi32, #tpu.memory_space<vmem>>) semaphore(%arg34 : memref<!tpu.dma_semaphore, #tpu.memory_space<semaphore_mem>>)
      %dma_start3A_58 = arith.constant 0 : i32
      %dma_start3A_59 = tpu.memref_slice %arg29[%dma_start3A_58] : memref<100096xf32, #tpu.memory_space<vmem_shared>> -> memref<100096xf32, #tpu.memory_space<vmem_shared>>
      tpu.enqueue_indirect_dma source(%dma_start3A_59 : memref<100096xf32, #tpu.memory_space<vmem_shared>>) target(%arg20 : memref<2048xf32, #tpu.memory_space<vmem>>) offsets(%arg14 : memref<2048xi32, #tpu.memory_space<vmem>>) semaphore(%arg34 : memref<!tpu.dma_semaphore, #tpu.memory_space<semaphore_mem>>)
      %dma_start3A_60 = arith.constant 0 : i32
      %dma_start3A_61 = tpu.memref_slice %arg30[%dma_start3A_60] : memref<100096xf32, #tpu.memory_space<vmem_shared>> -> memref<100096xf32, #tpu.memory_space<vmem_shared>>
      tpu.enqueue_indirect_dma source(%dma_start3A_61 : memref<100096xf32, #tpu.memory_space<vmem_shared>>) target(%arg21 : memref<2048xf32, #tpu.memory_space<vmem>>) offsets(%arg14 : memref<2048xi32, #tpu.memory_space<vmem>>) semaphore(%arg34 : memref<!tpu.dma_semaphore, #tpu.memory_space<semaphore_mem>>)
      %dma_wait3A = arith.constant 0 : i32
      %dma_wait3A_62 = tpu.memref_slice %arg28[%dma_wait3A] : memref<100096xf32, #tpu.memory_space<vmem_shared>> -> memref<100096xf32, #tpu.memory_space<vmem_shared>>
      tpu.wait_indirect_dma semaphore(%arg34 : memref<!tpu.dma_semaphore, #tpu.memory_space<semaphore_mem>>) src(%dma_wait3A_62 : memref<100096xf32, #tpu.memory_space<vmem_shared>>) dst(%arg16 : memref<2048xf32, #tpu.memory_space<vmem>>)
      %dma_wait3A_63 = arith.constant 0 : i32
      %dma_wait3A_64 = tpu.memref_slice %arg29[%dma_wait3A_63] : memref<100096xf32, #tpu.memory_space<vmem_shared>> -> memref<100096xf32, #tpu.memory_space<vmem_shared>>
      tpu.wait_indirect_dma semaphore(%arg34 : memref<!tpu.dma_semaphore, #tpu.memory_space<semaphore_mem>>) src(%dma_wait3A_64 : memref<100096xf32, #tpu.memory_space<vmem_shared>>) dst(%arg17 : memref<2048xf32, #tpu.memory_space<vmem>>)
      %dma_wait3A_65 = arith.constant 0 : i32
      %dma_wait3A_66 = tpu.memref_slice %arg30[%dma_wait3A_65] : memref<100096xf32, #tpu.memory_space<vmem_shared>> -> memref<100096xf32, #tpu.memory_space<vmem_shared>>
      tpu.wait_indirect_dma semaphore(%arg34 : memref<!tpu.dma_semaphore, #tpu.memory_space<semaphore_mem>>) src(%dma_wait3A_66 : memref<100096xf32, #tpu.memory_space<vmem_shared>>) dst(%arg18 : memref<2048xf32, #tpu.memory_space<vmem>>)
      %dma_wait3A_67 = arith.constant 0 : i32
      %dma_wait3A_68 = tpu.memref_slice %arg28[%dma_wait3A_67] : memref<100096xf32, #tpu.memory_space<vmem_shared>> -> memref<100096xf32, #tpu.memory_space<vmem_shared>>
      tpu.wait_indirect_dma semaphore(%arg34 : memref<!tpu.dma_semaphore, #tpu.memory_space<semaphore_mem>>) src(%dma_wait3A_68 : memref<100096xf32, #tpu.memory_space<vmem_shared>>) dst(%arg19 : memref<2048xf32, #tpu.memory_space<vmem>>)
      %dma_wait3A_69 = arith.constant 0 : i32
      %dma_wait3A_70 = tpu.memref_slice %arg29[%dma_wait3A_69] : memref<100096xf32, #tpu.memory_space<vmem_shared>> -> memref<100096xf32, #tpu.memory_space<vmem_shared>>
      tpu.wait_indirect_dma semaphore(%arg34 : memref<!tpu.dma_semaphore, #tpu.memory_space<semaphore_mem>>) src(%dma_wait3A_70 : memref<100096xf32, #tpu.memory_space<vmem_shared>>) dst(%arg20 : memref<2048xf32, #tpu.memory_space<vmem>>)
      %dma_wait3A_71 = arith.constant 0 : i32
      %dma_wait3A_72 = tpu.memref_slice %arg30[%dma_wait3A_71] : memref<100096xf32, #tpu.memory_space<vmem_shared>> -> memref<100096xf32, #tpu.memory_space<vmem_shared>>
      tpu.wait_indirect_dma semaphore(%arg34 : memref<!tpu.dma_semaphore, #tpu.memory_space<semaphore_mem>>) src(%dma_wait3A_72 : memref<100096xf32, #tpu.memory_space<vmem_shared>>) dst(%arg21 : memref<2048xf32, #tpu.memory_space<vmem>>)
      %scan3A = arith.constant 0 : i32
      %scan3A_73 = arith.constant 128 : i32
      %scan3A_74 = arith.addi %scan3A, %scan3A_73 : i32
      %scan3A_75 = arith.constant 1 : i32
      scf.for %scan3A_101 = %scan3A to %scan3A_74 step %scan3A_75  : i32 {
        %mul3A_102 = arith.constant 1 : i32
        %mul3A_103 = arith.muli %scan3A_101, %mul3A_102 : i32
        %add3A_104 = arith.constant 0 : i32
        %add3A_105 = arith.addi %add3A_104, %mul3A_103 : i32
        %mul3A_106 = arith.constant 16 : i32
        %mul3A_107 = arith.muli %add3A_105, %mul3A_106 : i32
        %get3A = arith.index_cast %mul3A_107 : i32 to index
        %get3A_108 = tpu.vector_load %arg19[%get3A] {strides = array<i32>} : memref<2048xf32, #tpu.memory_space<vmem>>, vector<16xf32>,
        %get3A_109 = arith.index_cast %mul3A_107 : i32 to index
        %get3A_110 = tpu.vector_load %arg16[%get3A_109] {strides = array<i32>} : memref<2048xf32, #tpu.memory_space<vmem>>, vector<16xf32>,
        %sub3A_111 = arith.subf %get3A_108, %get3A_110 : vector<16xf32>
        %get3A_112 = arith.index_cast %mul3A_107 : i32 to index
        %get3A_113 = tpu.vector_load %arg20[%get3A_112] {strides = array<i32>} : memref<2048xf32, #tpu.memory_space<vmem>>, vector<16xf32>,
        %get3A_114 = arith.index_cast %mul3A_107 : i32 to index
        %get3A_115 = tpu.vector_load %arg17[%get3A_114] {strides = array<i32>} : memref<2048xf32, #tpu.memory_space<vmem>>, vector<16xf32>,
        %sub3A_116 = arith.subf %get3A_113, %get3A_115 : vector<16xf32>
        %get3A_117 = arith.index_cast %mul3A_107 : i32 to index
        %get3A_118 = tpu.vector_load %arg21[%get3A_117] {strides = array<i32>} : memref<2048xf32, #tpu.memory_space<vmem>>, vector<16xf32>,
        %get3A_119 = arith.index_cast %mul3A_107 : i32 to index
        %get3A_120 = tpu.vector_load %arg18[%get3A_119] {strides = array<i32>} : memref<2048xf32, #tpu.memory_space<vmem>>, vector<16xf32>,
        %sub3A_121 = arith.subf %get3A_118, %get3A_120 : vector<16xf32>
        %mul3A_122 = arith.mulf %sub3A_111, %sub3A_111 : vector<16xf32>
        %mul3A_123 = arith.mulf %sub3A_116, %sub3A_116 : vector<16xf32>
        %add3A_124 = arith.addf %mul3A_122, %mul3A_123 : vector<16xf32>
        %mul3A_125 = arith.mulf %sub3A_121, %sub3A_121 : vector<16xf32>
        %add3A_126 = arith.addf %add3A_124, %mul3A_125 : vector<16xf32>
        %bitcast_convert_type3A = tpu.bitcast %add3A_126 : vector<16xf32> -> vector<16xi32>
        %shift_right_arithmetic3A = arith.constant 1 : i32
        %shift_right_arithmetic3A_127 = vector.broadcast %shift_right_arithmetic3A : i32 to vector<16xi32>
        %shift_right_arithmetic3A_128 = arith.shrsi %bitcast_convert_type3A, %shift_right_arithmetic3A_127 : vector<16xi32>
        %sub3A_129 = arith.constant 1597463007 : i32
        %sub3A_130 = vector.broadcast %sub3A_129 : i32 to vector<16xi32>
        %sub3A_131 = arith.subi %sub3A_130, %shift_right_arithmetic3A_128 : vector<16xi32>
        %bitcast_convert_type3A_132 = tpu.bitcast %sub3A_131 : vector<16xi32> -> vector<16xf32>
        %mul3A_133 = arith.constant 5.000000e-01 : f32
        %mul3A_134 = vector.broadcast %mul3A_133 : f32 to vector<16xf32>
        %mul3A_135 = arith.mulf %mul3A_134, %add3A_126 : vector<16xf32>
        %mul3A_136 = arith.mulf %mul3A_135, %bitcast_convert_type3A_132 : vector<16xf32>
        %mul3A_137 = arith.mulf %mul3A_136, %bitcast_convert_type3A_132 : vector<16xf32>
        %sub3A_138 = arith.constant 1.500000e+00 : f32
        %sub3A_139 = vector.broadcast %sub3A_138 : f32 to vector<16xf32>
        %sub3A_140 = arith.subf %sub3A_139, %mul3A_137 : vector<16xf32>
        %mul3A_141 = arith.mulf %bitcast_convert_type3A_132, %sub3A_140 : vector<16xf32>
        %mul3A_142 = arith.constant 5.000000e-01 : f32
        %mul3A_143 = vector.broadcast %mul3A_142 : f32 to vector<16xf32>
        %mul3A_144 = arith.mulf %mul3A_143, %add3A_126 : vector<16xf32>
        %mul3A_145 = arith.mulf %mul3A_144, %mul3A_141 : vector<16xf32>
        %mul3A_146 = arith.mulf %mul3A_145, %mul3A_141 : vector<16xf32>
        %sub3A_147 = arith.constant 1.500000e+00 : f32
        %sub3A_148 = vector.broadcast %sub3A_147 : f32 to vector<16xf32>
        %sub3A_149 = arith.subf %sub3A_148, %mul3A_146 : vector<16xf32>
        %mul3A_150 = arith.mulf %mul3A_141, %sub3A_149 : vector<16xf32>
        %mul3A_151 = arith.constant 5.000000e-01 : f32
        %mul3A_152 = vector.broadcast %mul3A_151 : f32 to vector<16xf32>
        %mul3A_153 = arith.mulf %mul3A_152, %add3A_126 : vector<16xf32>
        %mul3A_154 = arith.mulf %mul3A_153, %mul3A_150 : vector<16xf32>
        %mul3A_155 = arith.mulf %mul3A_154, %mul3A_150 : vector<16xf32>
        %sub3A_156 = arith.constant 1.500000e+00 : f32
        %sub3A_157 = vector.broadcast %sub3A_156 : f32 to vector<16xf32>
        %sub3A_158 = arith.subf %sub3A_157, %mul3A_155 : vector<16xf32>
        %mul3A_159 = arith.mulf %mul3A_150, %sub3A_158 : vector<16xf32>
        %get3A_160 = arith.index_cast %mul3A_107 : i32 to index
        %get3A_161 = tpu.vector_load %arg15[%get3A_160] {strides = array<i32>} : memref<2048xf32, #tpu.memory_space<vmem>>, vector<16xf32>,
        %mul3A_162 = arith.mulf %get3A_161, %mul3A_159 : vector<16xf32>
        %mul3A_163 = arith.mulf %mul3A_162, %sub3A_111 : vector<16xf32>
        %mul3A_164 = arith.mulf %mul3A_162, %sub3A_116 : vector<16xf32>
        %mul3A_165 = arith.mulf %mul3A_162, %sub3A_121 : vector<16xf32>
        %swap3A = arith.index_cast %mul3A_107 : i32 to index
        %swap3A_166 = tpu.vector_load %arg25[%swap3A] {strides = array<i32>} : memref<2048xf32, #tpu.memory_space<vmem>>, vector<16xf32>,
        tpu.vector_store %arg25[%swap3A], %mul3A_163 {strides = array<i32>} : memref<2048xf32, #tpu.memory_space<vmem>>, vector<16xf32>,
        %swap3A_167 = arith.index_cast %mul3A_107 : i32 to index
        %swap3A_168 = tpu.vector_load %arg26[%swap3A_167] {strides = array<i32>} : memref<2048xf32, #tpu.memory_space<vmem>>, vector<16xf32>,
        tpu.vector_store %arg26[%swap3A_167], %mul3A_164 {strides = array<i32>} : memref<2048xf32, #tpu.memory_space<vmem>>, vector<16xf32>,
        %swap3A_169 = arith.index_cast %mul3A_107 : i32 to index
        %swap3A_170 = tpu.vector_load %arg27[%swap3A_169] {strides = array<i32>} : memref<2048xf32, #tpu.memory_space<vmem>>, vector<16xf32>,
        tpu.vector_store %arg27[%swap3A_169], %mul3A_165 {strides = array<i32>} : memref<2048xf32, #tpu.memory_space<vmem>>, vector<16xf32>,
        %neg3A = arith.constant 0.000000e+00 : f32
        %neg3A_171 = vector.broadcast %neg3A : f32 to vector<16xf32>
        %neg3A_172 = arith.subf %neg3A_171, %mul3A_163 : vector<16xf32>
        %swap3A_173 = arith.index_cast %mul3A_107 : i32 to index
        %swap3A_174 = tpu.vector_load %arg22[%swap3A_173] {strides = array<i32>} : memref<2048xf32, #tpu.memory_space<vmem>>, vector<16xf32>,
        tpu.vector_store %arg22[%swap3A_173], %neg3A_172 {strides = array<i32>} : memref<2048xf32, #tpu.memory_space<vmem>>, vector<16xf32>,
        %neg3A_175 = arith.constant 0.000000e+00 : f32
        %neg3A_176 = vector.broadcast %neg3A_175 : f32 to vector<16xf32>
        %neg3A_177 = arith.subf %neg3A_176, %mul3A_164 : vector<16xf32>
        %swap3A_178 = arith.index_cast %mul3A_107 : i32 to index
        %swap3A_179 = tpu.vector_load %arg23[%swap3A_178] {strides = array<i32>} : memref<2048xf32, #tpu.memory_space<vmem>>, vector<16xf32>,
        tpu.vector_store %arg23[%swap3A_178], %neg3A_177 {strides = array<i32>} : memref<2048xf32, #tpu.memory_space<vmem>>, vector<16xf32>,
        %neg3A_180 = arith.constant 0.000000e+00 : f32
        %neg3A_181 = vector.broadcast %neg3A_180 : f32 to vector<16xf32>
        %neg3A_182 = arith.subf %neg3A_181, %mul3A_165 : vector<16xf32>
        %swap3A_183 = arith.index_cast %mul3A_107 : i32 to index
        %swap3A_184 = tpu.vector_load %arg24[%swap3A_183] {strides = array<i32>} : memref<2048xf32, #tpu.memory_space<vmem>>, vector<16xf32>,
        tpu.vector_store %arg24[%swap3A_183], %neg3A_182 {strides = array<i32>} : memref<2048xf32, #tpu.memory_space<vmem>>, vector<16xf32>,
      }
      %scan3A_76 = arith.constant 128 : i32
      %dma_start3A_77 = arith.constant 0 : i32
      %dma_start3A_78 = tpu.memref_slice %arg31[%dma_start3A_77] : memref<100096xf32, #tpu.memory_space<vmem_shared>> -> memref<100096xf32, #tpu.memory_space<vmem_shared>>
      tpu.enqueue_indirect_dma source(%arg22 : memref<2048xf32, #tpu.memory_space<vmem>>) target(%dma_start3A_78 : memref<100096xf32, #tpu.memory_space<vmem_shared>>) offsets(%arg13 : memref<2048xi32, #tpu.memory_space<vmem>>) semaphore(%arg35 : memref<!tpu.dma_semaphore, #tpu.memory_space<semaphore_mem>>) {add = true}
      %dma_start3A_79 = arith.constant 0 : i32
      %dma_start3A_80 = tpu.memref_slice %arg32[%dma_start3A_79] : memref<100096xf32, #tpu.memory_space<vmem_shared>> -> memref<100096xf32, #tpu.memory_space<vmem_shared>>
      tpu.enqueue_indirect_dma source(%arg23 : memref<2048xf32, #tpu.memory_space<vmem>>) target(%dma_start3A_80 : memref<100096xf32, #tpu.memory_space<vmem_shared>>) offsets(%arg13 : memref<2048xi32, #tpu.memory_space<vmem>>) semaphore(%arg35 : memref<!tpu.dma_semaphore, #tpu.memory_space<semaphore_mem>>) {add = true}
      %dma_start3A_81 = arith.constant 0 : i32
      %dma_start3A_82 = tpu.memref_slice %arg33[%dma_start3A_81] : memref<100096xf32, #tpu.memory_space<vmem_shared>> -> memref<100096xf32, #tpu.memory_space<vmem_shared>>
      tpu.enqueue_indirect_dma source(%arg24 : memref<2048xf32, #tpu.memory_space<vmem>>) target(%dma_start3A_82 : memref<100096xf32, #tpu.memory_space<vmem_shared>>) offsets(%arg13 : memref<2048xi32, #tpu.memory_space<vmem>>) semaphore(%arg35 : memref<!tpu.dma_semaphore, #tpu.memory_space<semaphore_mem>>) {add = true}
      %dma_start3A_83 = arith.constant 0 : i32
      %dma_start3A_84 = tpu.memref_slice %arg31[%dma_start3A_83] : memref<100096xf32, #tpu.memory_space<vmem_shared>> -> memref<100096xf32, #tpu.memory_space<vmem_shared>>
      tpu.enqueue_indirect_dma source(%arg25 : memref<2048xf32, #tpu.memory_space<vmem>>) target(%dma_start3A_84 : memref<100096xf32, #tpu.memory_space<vmem_shared>>) offsets(%arg14 : memref<2048xi32, #tpu.memory_space<vmem>>) semaphore(%arg35 : memref<!tpu.dma_semaphore, #tpu.memory_space<semaphore_mem>>) {add = true}
      %dma_start3A_85 = arith.constant 0 : i32
      %dma_start3A_86 = tpu.memref_slice %arg32[%dma_start3A_85] : memref<100096xf32, #tpu.memory_space<vmem_shared>> -> memref<100096xf32, #tpu.memory_space<vmem_shared>>
      tpu.enqueue_indirect_dma source(%arg26 : memref<2048xf32, #tpu.memory_space<vmem>>) target(%dma_start3A_86 : memref<100096xf32, #tpu.memory_space<vmem_shared>>) offsets(%arg14 : memref<2048xi32, #tpu.memory_space<vmem>>) semaphore(%arg35 : memref<!tpu.dma_semaphore, #tpu.memory_space<semaphore_mem>>) {add = true}
      %dma_start3A_87 = arith.constant 0 : i32
      %dma_start3A_88 = tpu.memref_slice %arg33[%dma_start3A_87] : memref<100096xf32, #tpu.memory_space<vmem_shared>> -> memref<100096xf32, #tpu.memory_space<vmem_shared>>
      tpu.enqueue_indirect_dma source(%arg27 : memref<2048xf32, #tpu.memory_space<vmem>>) target(%dma_start3A_88 : memref<100096xf32, #tpu.memory_space<vmem_shared>>) offsets(%arg14 : memref<2048xi32, #tpu.memory_space<vmem>>) semaphore(%arg35 : memref<!tpu.dma_semaphore, #tpu.memory_space<semaphore_mem>>) {add = true}
      %dma_wait3A_89 = arith.constant 0 : i32
      %dma_wait3A_90 = tpu.memref_slice %arg31[%dma_wait3A_89] : memref<100096xf32, #tpu.memory_space<vmem_shared>> -> memref<100096xf32, #tpu.memory_space<vmem_shared>>
      tpu.wait_indirect_dma semaphore(%arg35 : memref<!tpu.dma_semaphore, #tpu.memory_space<semaphore_mem>>) src(%arg22 : memref<2048xf32, #tpu.memory_space<vmem>>) dst(%dma_wait3A_90 : memref<100096xf32, #tpu.memory_space<vmem_shared>>)
      %dma_wait3A_91 = arith.constant 0 : i32
      %dma_wait3A_92 = tpu.memref_slice %arg32[%dma_wait3A_91] : memref<100096xf32, #tpu.memory_space<vmem_shared>> -> memref<100096xf32, #tpu.memory_space<vmem_shared>>
      tpu.wait_indirect_dma semaphore(%arg35 : memref<!tpu.dma_semaphore, #tpu.memory_space<semaphore_mem>>) src(%arg23 : memref<2048xf32, #tpu.memory_space<vmem>>) dst(%dma_wait3A_92 : memref<100096xf32, #tpu.memory_space<vmem_shared>>)
      %dma_wait3A_93 = arith.constant 0 : i32
      %dma_wait3A_94 = tpu.memref_slice %arg33[%dma_wait3A_93] : memref<100096xf32, #tpu.memory_space<vmem_shared>> -> memref<100096xf32, #tpu.memory_space<vmem_shared>>
      tpu.wait_indirect_dma semaphore(%arg35 : memref<!tpu.dma_semaphore, #tpu.memory_space<semaphore_mem>>) src(%arg24 : memref<2048xf32, #tpu.memory_space<vmem>>) dst(%dma_wait3A_94 : memref<100096xf32, #tpu.memory_space<vmem_shared>>)
      %dma_wait3A_95 = arith.constant 0 : i32
      %dma_wait3A_96 = tpu.memref_slice %arg31[%dma_wait3A_95] : memref<100096xf32, #tpu.memory_space<vmem_shared>> -> memref<100096xf32, #tpu.memory_space<vmem_shared>>
      tpu.wait_indirect_dma semaphore(%arg35 : memref<!tpu.dma_semaphore, #tpu.memory_space<semaphore_mem>>) src(%arg25 : memref<2048xf32, #tpu.memory_space<vmem>>) dst(%dma_wait3A_96 : memref<100096xf32, #tpu.memory_space<vmem_shared>>)
      %dma_wait3A_97 = arith.constant 0 : i32
      %dma_wait3A_98 = tpu.memref_slice %arg32[%dma_wait3A_97] : memref<100096xf32, #tpu.memory_space<vmem_shared>> -> memref<100096xf32, #tpu.memory_space<vmem_shared>>
      tpu.wait_indirect_dma semaphore(%arg35 : memref<!tpu.dma_semaphore, #tpu.memory_space<semaphore_mem>>) src(%arg26 : memref<2048xf32, #tpu.memory_space<vmem>>) dst(%dma_wait3A_98 : memref<100096xf32, #tpu.memory_space<vmem_shared>>)
      %dma_wait3A_99 = arith.constant 0 : i32
      %dma_wait3A_100 = tpu.memref_slice %arg33[%dma_wait3A_99] : memref<100096xf32, #tpu.memory_space<vmem_shared>> -> memref<100096xf32, #tpu.memory_space<vmem_shared>>
      tpu.wait_indirect_dma semaphore(%arg35 : memref<!tpu.dma_semaphore, #tpu.memory_space<semaphore_mem>>) src(%arg27 : memref<2048xf32, #tpu.memory_space<vmem>>) dst(%dma_wait3A_100 : memref<100096xf32, #tpu.memory_space<vmem_shared>>)
    }
    %while3A_26 = arith.constant 1 : i32
    scf.for %while3A_39 = %while3A_24 to %while3A_20 step %while3A_26  : i32 {
      %mul3A_40 = arith.muli %while3A_39, %while3A : i32
      %add3A_41 = arith.addi %while3A_17, %mul3A_40 : i32
      %mul3A_42 = arith.constant 32 : i32
      %mul3A_43 = arith.muli %add3A_41, %mul3A_42 : i32
      %add3A_44 = arith.addi %mul3A_43, %add3A : i32
      %mul3A_45 = arith.constant 2048 : i32
      %mul3A_46 = arith.muli %add3A_44, %mul3A_45 : i32
      "tpu.region"() ({
        %run_scoped3A = tpu.sem_alloc : memref<!tpu.dma_semaphore, #tpu.memory_space<semaphore_mem>>
        %dma_start3A_101 = tpu.memref_slice %arg9[%mul3A_46] : memref<6400000xi32, #tpu.memory_space<hbm>> -> memref<2048xi32, #tpu.memory_space<hbm>>
        %dma_start3A_102 = tpu.memref_slice %arg9[%mul3A_46] : memref<6400000xi32, #tpu.memory_space<hbm>> -> memref<2048xi32, #tpu.memory_space<hbm>>
        tpu.enqueue_dma source(%dma_start3A_102 : memref<2048xi32, #tpu.memory_space<hbm>>) target(%arg13 : memref<2048xi32, #tpu.memory_space<vmem>>) target_semaphore(%run_scoped3A : memref<!tpu.dma_semaphore, #tpu.memory_space<semaphore_mem>>)
        %dma_wait3A_103 = tpu.memref_slice %arg9[%mul3A_46] : memref<6400000xi32, #tpu.memory_space<hbm>> -> memref<2048xi32, #tpu.memory_space<hbm>>
        %dma_wait3A_104 = tpu.memref_slice %arg9[%mul3A_46] : memref<6400000xi32, #tpu.memory_space<hbm>> -> memref<2048xi32, #tpu.memory_space<hbm>>
        tpu.wait_dma2 semaphore(%run_scoped3A : memref<!tpu.dma_semaphore, #tpu.memory_space<semaphore_mem>>) src(%dma_wait3A_104 : memref<2048xi32, #tpu.memory_space<hbm>>) dst(%arg13 : memref<2048xi32, #tpu.memory_space<vmem>>)
        tpu.yield
      }) : () -> ()
      %mul3A_47 = arith.constant 2048 : i32
      %mul3A_48 = arith.muli %add3A_44, %mul3A_47 : i32
      "tpu.region"() ({
        %run_scoped3A = tpu.sem_alloc : memref<!tpu.dma_semaphore, #tpu.memory_space<semaphore_mem>>
        %dma_start3A_101 = tpu.memref_slice %arg10[%mul3A_48] : memref<6400000xi32, #tpu.memory_space<hbm>> -> memref<2048xi32, #tpu.memory_space<hbm>>
        %dma_start3A_102 = tpu.memref_slice %arg10[%mul3A_48] : memref<6400000xi32, #tpu.memory_space<hbm>> -> memref<2048xi32, #tpu.memory_space<hbm>>
        tpu.enqueue_dma source(%dma_start3A_102 : memref<2048xi32, #tpu.memory_space<hbm>>) target(%arg14 : memref<2048xi32, #tpu.memory_space<vmem>>) target_semaphore(%run_scoped3A : memref<!tpu.dma_semaphore, #tpu.memory_space<semaphore_mem>>)
        %dma_wait3A_103 = tpu.memref_slice %arg10[%mul3A_48] : memref<6400000xi32, #tpu.memory_space<hbm>> -> memref<2048xi32, #tpu.memory_space<hbm>>
        %dma_wait3A_104 = tpu.memref_slice %arg10[%mul3A_48] : memref<6400000xi32, #tpu.memory_space<hbm>> -> memref<2048xi32, #tpu.memory_space<hbm>>
        tpu.wait_dma2 semaphore(%run_scoped3A : memref<!tpu.dma_semaphore, #tpu.memory_space<semaphore_mem>>) src(%dma_wait3A_104 : memref<2048xi32, #tpu.memory_space<hbm>>) dst(%arg14 : memref<2048xi32, #tpu.memory_space<vmem>>)
        tpu.yield
      }) : () -> ()
      %mul3A_49 = arith.constant 2048 : i32
      %mul3A_50 = arith.muli %add3A_44, %mul3A_49 : i32
      "tpu.region"() ({
        %run_scoped3A = tpu.sem_alloc : memref<!tpu.dma_semaphore, #tpu.memory_space<semaphore_mem>>
        %dma_start3A_101 = tpu.memref_slice %arg11[%mul3A_50] : memref<6400000xf32, #tpu.memory_space<hbm>> -> memref<2048xf32, #tpu.memory_space<hbm>>
        %dma_start3A_102 = tpu.memref_slice %arg11[%mul3A_50] : memref<6400000xf32, #tpu.memory_space<hbm>> -> memref<2048xf32, #tpu.memory_space<hbm>>
        tpu.enqueue_dma source(%dma_start3A_102 : memref<2048xf32, #tpu.memory_space<hbm>>) target(%arg15 : memref<2048xf32, #tpu.memory_space<vmem>>) target_semaphore(%run_scoped3A : memref<!tpu.dma_semaphore, #tpu.memory_space<semaphore_mem>>)
        %dma_wait3A_103 = tpu.memref_slice %arg11[%mul3A_50] : memref<6400000xf32, #tpu.memory_space<hbm>> -> memref<2048xf32, #tpu.memory_space<hbm>>
        %dma_wait3A_104 = tpu.memref_slice %arg11[%mul3A_50] : memref<6400000xf32, #tpu.memory_space<hbm>> -> memref<2048xf32, #tpu.memory_space<hbm>>
        tpu.wait_dma2 semaphore(%run_scoped3A : memref<!tpu.dma_semaphore, #tpu.memory_space<semaphore_mem>>) src(%dma_wait3A_104 : memref<2048xf32, #tpu.memory_space<hbm>>) dst(%arg15 : memref<2048xf32, #tpu.memory_space<vmem>>)
        tpu.yield
      }) : () -> ()
      %dma_start3A = arith.constant 0 : i32
      %dma_start3A_51 = tpu.memref_slice %arg28[%dma_start3A] : memref<100096xf32, #tpu.memory_space<vmem_shared>> -> memref<100096xf32, #tpu.memory_space<vmem_shared>>
      tpu.enqueue_indirect_dma source(%dma_start3A_51 : memref<100096xf32, #tpu.memory_space<vmem_shared>>) target(%arg16 : memref<2048xf32, #tpu.memory_space<vmem>>) offsets(%arg13 : memref<2048xi32, #tpu.memory_space<vmem>>) semaphore(%arg34 : memref<!tpu.dma_semaphore, #tpu.memory_space<semaphore_mem>>)
      %dma_start3A_52 = arith.constant 0 : i32
      %dma_start3A_53 = tpu.memref_slice %arg29[%dma_start3A_52] : memref<100096xf32, #tpu.memory_space<vmem_shared>> -> memref<100096xf32, #tpu.memory_space<vmem_shared>>
      tpu.enqueue_indirect_dma source(%dma_start3A_53 : memref<100096xf32, #tpu.memory_space<vmem_shared>>) target(%arg17 : memref<2048xf32, #tpu.memory_space<vmem>>) offsets(%arg13 : memref<2048xi32, #tpu.memory_space<vmem>>) semaphore(%arg34 : memref<!tpu.dma_semaphore, #tpu.memory_space<semaphore_mem>>)
      %dma_start3A_54 = arith.constant 0 : i32
      %dma_start3A_55 = tpu.memref_slice %arg30[%dma_start3A_54] : memref<100096xf32, #tpu.memory_space<vmem_shared>> -> memref<100096xf32, #tpu.memory_space<vmem_shared>>
      tpu.enqueue_indirect_dma source(%dma_start3A_55 : memref<100096xf32, #tpu.memory_space<vmem_shared>>) target(%arg18 : memref<2048xf32, #tpu.memory_space<vmem>>) offsets(%arg13 : memref<2048xi32, #tpu.memory_space<vmem>>) semaphore(%arg34 : memref<!tpu.dma_semaphore, #tpu.memory_space<semaphore_mem>>)
      %dma_start3A_56 = arith.constant 0 : i32
      %dma_start3A_57 = tpu.memref_slice %arg28[%dma_start3A_56] : memref<100096xf32, #tpu.memory_space<vmem_shared>> -> memref<100096xf32, #tpu.memory_space<vmem_shared>>
      tpu.enqueue_indirect_dma source(%dma_start3A_57 : memref<100096xf32, #tpu.memory_space<vmem_shared>>) target(%arg19 : memref<2048xf32, #tpu.memory_space<vmem>>) offsets(%arg14 : memref<2048xi32, #tpu.memory_space<vmem>>) semaphore(%arg34 : memref<!tpu.dma_semaphore, #tpu.memory_space<semaphore_mem>>)
      %dma_start3A_58 = arith.constant 0 : i32
      %dma_start3A_59 = tpu.memref_slice %arg29[%dma_start3A_58] : memref<100096xf32, #tpu.memory_space<vmem_shared>> -> memref<100096xf32, #tpu.memory_space<vmem_shared>>
      tpu.enqueue_indirect_dma source(%dma_start3A_59 : memref<100096xf32, #tpu.memory_space<vmem_shared>>) target(%arg20 : memref<2048xf32, #tpu.memory_space<vmem>>) offsets(%arg14 : memref<2048xi32, #tpu.memory_space<vmem>>) semaphore(%arg34 : memref<!tpu.dma_semaphore, #tpu.memory_space<semaphore_mem>>)
      %dma_start3A_60 = arith.constant 0 : i32
      %dma_start3A_61 = tpu.memref_slice %arg30[%dma_start3A_60] : memref<100096xf32, #tpu.memory_space<vmem_shared>> -> memref<100096xf32, #tpu.memory_space<vmem_shared>>
      tpu.enqueue_indirect_dma source(%dma_start3A_61 : memref<100096xf32, #tpu.memory_space<vmem_shared>>) target(%arg21 : memref<2048xf32, #tpu.memory_space<vmem>>) offsets(%arg14 : memref<2048xi32, #tpu.memory_space<vmem>>) semaphore(%arg34 : memref<!tpu.dma_semaphore, #tpu.memory_space<semaphore_mem>>)
      %dma_wait3A = arith.constant 0 : i32
      %dma_wait3A_62 = tpu.memref_slice %arg28[%dma_wait3A] : memref<100096xf32, #tpu.memory_space<vmem_shared>> -> memref<100096xf32, #tpu.memory_space<vmem_shared>>
      tpu.wait_indirect_dma semaphore(%arg34 : memref<!tpu.dma_semaphore, #tpu.memory_space<semaphore_mem>>) src(%dma_wait3A_62 : memref<100096xf32, #tpu.memory_space<vmem_shared>>) dst(%arg16 : memref<2048xf32, #tpu.memory_space<vmem>>)
      %dma_wait3A_63 = arith.constant 0 : i32
      %dma_wait3A_64 = tpu.memref_slice %arg29[%dma_wait3A_63] : memref<100096xf32, #tpu.memory_space<vmem_shared>> -> memref<100096xf32, #tpu.memory_space<vmem_shared>>
      tpu.wait_indirect_dma semaphore(%arg34 : memref<!tpu.dma_semaphore, #tpu.memory_space<semaphore_mem>>) src(%dma_wait3A_64 : memref<100096xf32, #tpu.memory_space<vmem_shared>>) dst(%arg17 : memref<2048xf32, #tpu.memory_space<vmem>>)
      %dma_wait3A_65 = arith.constant 0 : i32
      %dma_wait3A_66 = tpu.memref_slice %arg30[%dma_wait3A_65] : memref<100096xf32, #tpu.memory_space<vmem_shared>> -> memref<100096xf32, #tpu.memory_space<vmem_shared>>
      tpu.wait_indirect_dma semaphore(%arg34 : memref<!tpu.dma_semaphore, #tpu.memory_space<semaphore_mem>>) src(%dma_wait3A_66 : memref<100096xf32, #tpu.memory_space<vmem_shared>>) dst(%arg18 : memref<2048xf32, #tpu.memory_space<vmem>>)
      %dma_wait3A_67 = arith.constant 0 : i32
      %dma_wait3A_68 = tpu.memref_slice %arg28[%dma_wait3A_67] : memref<100096xf32, #tpu.memory_space<vmem_shared>> -> memref<100096xf32, #tpu.memory_space<vmem_shared>>
      tpu.wait_indirect_dma semaphore(%arg34 : memref<!tpu.dma_semaphore, #tpu.memory_space<semaphore_mem>>) src(%dma_wait3A_68 : memref<100096xf32, #tpu.memory_space<vmem_shared>>) dst(%arg19 : memref<2048xf32, #tpu.memory_space<vmem>>)
      %dma_wait3A_69 = arith.constant 0 : i32
      %dma_wait3A_70 = tpu.memref_slice %arg29[%dma_wait3A_69] : memref<100096xf32, #tpu.memory_space<vmem_shared>> -> memref<100096xf32, #tpu.memory_space<vmem_shared>>
      tpu.wait_indirect_dma semaphore(%arg34 : memref<!tpu.dma_semaphore, #tpu.memory_space<semaphore_mem>>) src(%dma_wait3A_70 : memref<100096xf32, #tpu.memory_space<vmem_shared>>) dst(%arg20 : memref<2048xf32, #tpu.memory_space<vmem>>)
      %dma_wait3A_71 = arith.constant 0 : i32
      %dma_wait3A_72 = tpu.memref_slice %arg30[%dma_wait3A_71] : memref<100096xf32, #tpu.memory_space<vmem_shared>> -> memref<100096xf32, #tpu.memory_space<vmem_shared>>
      tpu.wait_indirect_dma semaphore(%arg34 : memref<!tpu.dma_semaphore, #tpu.memory_space<semaphore_mem>>) src(%dma_wait3A_72 : memref<100096xf32, #tpu.memory_space<vmem_shared>>) dst(%arg21 : memref<2048xf32, #tpu.memory_space<vmem>>)
      %scan3A = arith.constant 0 : i32
      %scan3A_73 = arith.constant 128 : i32
      %scan3A_74 = arith.addi %scan3A, %scan3A_73 : i32
      %scan3A_75 = arith.constant 1 : i32
      scf.for %scan3A_101 = %scan3A to %scan3A_74 step %scan3A_75  : i32 {
        %mul3A_102 = arith.constant 1 : i32
        %mul3A_103 = arith.muli %scan3A_101, %mul3A_102 : i32
        %add3A_104 = arith.constant 0 : i32
        %add3A_105 = arith.addi %add3A_104, %mul3A_103 : i32
        %mul3A_106 = arith.constant 16 : i32
        %mul3A_107 = arith.muli %add3A_105, %mul3A_106 : i32
        %get3A = arith.index_cast %mul3A_107 : i32 to index
        %get3A_108 = tpu.vector_load %arg19[%get3A] {strides = array<i32>} : memref<2048xf32, #tpu.memory_space<vmem>>, vector<16xf32>,
        %get3A_109 = arith.index_cast %mul3A_107 : i32 to index
        %get3A_110 = tpu.vector_load %arg16[%get3A_109] {strides = array<i32>} : memref<2048xf32, #tpu.memory_space<vmem>>, vector<16xf32>,
        %sub3A_111 = arith.subf %get3A_108, %get3A_110 : vector<16xf32>
        %get3A_112 = arith.index_cast %mul3A_107 : i32 to index
        %get3A_113 = tpu.vector_load %arg20[%get3A_112] {strides = array<i32>} : memref<2048xf32, #tpu.memory_space<vmem>>, vector<16xf32>,
        %get3A_114 = arith.index_cast %mul3A_107 : i32 to index
        %get3A_115 = tpu.vector_load %arg17[%get3A_114] {strides = array<i32>} : memref<2048xf32, #tpu.memory_space<vmem>>, vector<16xf32>,
        %sub3A_116 = arith.subf %get3A_113, %get3A_115 : vector<16xf32>
        %get3A_117 = arith.index_cast %mul3A_107 : i32 to index
        %get3A_118 = tpu.vector_load %arg21[%get3A_117] {strides = array<i32>} : memref<2048xf32, #tpu.memory_space<vmem>>, vector<16xf32>,
        %get3A_119 = arith.index_cast %mul3A_107 : i32 to index
        %get3A_120 = tpu.vector_load %arg18[%get3A_119] {strides = array<i32>} : memref<2048xf32, #tpu.memory_space<vmem>>, vector<16xf32>,
        %sub3A_121 = arith.subf %get3A_118, %get3A_120 : vector<16xf32>
        %mul3A_122 = arith.mulf %sub3A_111, %sub3A_111 : vector<16xf32>
        %mul3A_123 = arith.mulf %sub3A_116, %sub3A_116 : vector<16xf32>
        %add3A_124 = arith.addf %mul3A_122, %mul3A_123 : vector<16xf32>
        %mul3A_125 = arith.mulf %sub3A_121, %sub3A_121 : vector<16xf32>
        %add3A_126 = arith.addf %add3A_124, %mul3A_125 : vector<16xf32>
        %bitcast_convert_type3A = tpu.bitcast %add3A_126 : vector<16xf32> -> vector<16xi32>
        %shift_right_arithmetic3A = arith.constant 1 : i32
        %shift_right_arithmetic3A_127 = vector.broadcast %shift_right_arithmetic3A : i32 to vector<16xi32>
        %shift_right_arithmetic3A_128 = arith.shrsi %bitcast_convert_type3A, %shift_right_arithmetic3A_127 : vector<16xi32>
        %sub3A_129 = arith.constant 1597463007 : i32
        %sub3A_130 = vector.broadcast %sub3A_129 : i32 to vector<16xi32>
        %sub3A_131 = arith.subi %sub3A_130, %shift_right_arithmetic3A_128 : vector<16xi32>
        %bitcast_convert_type3A_132 = tpu.bitcast %sub3A_131 : vector<16xi32> -> vector<16xf32>
        %mul3A_133 = arith.constant 5.000000e-01 : f32
        %mul3A_134 = vector.broadcast %mul3A_133 : f32 to vector<16xf32>
        %mul3A_135 = arith.mulf %mul3A_134, %add3A_126 : vector<16xf32>
        %mul3A_136 = arith.mulf %mul3A_135, %bitcast_convert_type3A_132 : vector<16xf32>
        %mul3A_137 = arith.mulf %mul3A_136, %bitcast_convert_type3A_132 : vector<16xf32>
        %sub3A_138 = arith.constant 1.500000e+00 : f32
        %sub3A_139 = vector.broadcast %sub3A_138 : f32 to vector<16xf32>
        %sub3A_140 = arith.subf %sub3A_139, %mul3A_137 : vector<16xf32>
        %mul3A_141 = arith.mulf %bitcast_convert_type3A_132, %sub3A_140 : vector<16xf32>
        %mul3A_142 = arith.constant 5.000000e-01 : f32
        %mul3A_143 = vector.broadcast %mul3A_142 : f32 to vector<16xf32>
        %mul3A_144 = arith.mulf %mul3A_143, %add3A_126 : vector<16xf32>
        %mul3A_145 = arith.mulf %mul3A_144, %mul3A_141 : vector<16xf32>
        %mul3A_146 = arith.mulf %mul3A_145, %mul3A_141 : vector<16xf32>
        %sub3A_147 = arith.constant 1.500000e+00 : f32
        %sub3A_148 = vector.broadcast %sub3A_147 : f32 to vector<16xf32>
        %sub3A_149 = arith.subf %sub3A_148, %mul3A_146 : vector<16xf32>
        %mul3A_150 = arith.mulf %mul3A_141, %sub3A_149 : vector<16xf32>
        %mul3A_151 = arith.constant 5.000000e-01 : f32
        %mul3A_152 = vector.broadcast %mul3A_151 : f32 to vector<16xf32>
        %mul3A_153 = arith.mulf %mul3A_152, %add3A_126 : vector<16xf32>
        %mul3A_154 = arith.mulf %mul3A_153, %mul3A_150 : vector<16xf32>
        %mul3A_155 = arith.mulf %mul3A_154, %mul3A_150 : vector<16xf32>
        %sub3A_156 = arith.constant 1.500000e+00 : f32
        %sub3A_157 = vector.broadcast %sub3A_156 : f32 to vector<16xf32>
        %sub3A_158 = arith.subf %sub3A_157, %mul3A_155 : vector<16xf32>
        %mul3A_159 = arith.mulf %mul3A_150, %sub3A_158 : vector<16xf32>
        %get3A_160 = arith.index_cast %mul3A_107 : i32 to index
        %get3A_161 = tpu.vector_load %arg15[%get3A_160] {strides = array<i32>} : memref<2048xf32, #tpu.memory_space<vmem>>, vector<16xf32>,
        %mul3A_162 = arith.mulf %get3A_161, %mul3A_159 : vector<16xf32>
        %mul3A_163 = arith.mulf %mul3A_162, %sub3A_111 : vector<16xf32>
        %mul3A_164 = arith.mulf %mul3A_162, %sub3A_116 : vector<16xf32>
        %mul3A_165 = arith.mulf %mul3A_162, %sub3A_121 : vector<16xf32>
        %swap3A = arith.index_cast %mul3A_107 : i32 to index
        %swap3A_166 = tpu.vector_load %arg25[%swap3A] {strides = array<i32>} : memref<2048xf32, #tpu.memory_space<vmem>>, vector<16xf32>,
        tpu.vector_store %arg25[%swap3A], %mul3A_163 {strides = array<i32>} : memref<2048xf32, #tpu.memory_space<vmem>>, vector<16xf32>,
        %swap3A_167 = arith.index_cast %mul3A_107 : i32 to index
        %swap3A_168 = tpu.vector_load %arg26[%swap3A_167] {strides = array<i32>} : memref<2048xf32, #tpu.memory_space<vmem>>, vector<16xf32>,
        tpu.vector_store %arg26[%swap3A_167], %mul3A_164 {strides = array<i32>} : memref<2048xf32, #tpu.memory_space<vmem>>, vector<16xf32>,
        %swap3A_169 = arith.index_cast %mul3A_107 : i32 to index
        %swap3A_170 = tpu.vector_load %arg27[%swap3A_169] {strides = array<i32>} : memref<2048xf32, #tpu.memory_space<vmem>>, vector<16xf32>,
        tpu.vector_store %arg27[%swap3A_169], %mul3A_165 {strides = array<i32>} : memref<2048xf32, #tpu.memory_space<vmem>>, vector<16xf32>,
        %neg3A = arith.constant 0.000000e+00 : f32
        %neg3A_171 = vector.broadcast %neg3A : f32 to vector<16xf32>
        %neg3A_172 = arith.subf %neg3A_171, %mul3A_163 : vector<16xf32>
        %swap3A_173 = arith.index_cast %mul3A_107 : i32 to index
        %swap3A_174 = tpu.vector_load %arg22[%swap3A_173] {strides = array<i32>} : memref<2048xf32, #tpu.memory_space<vmem>>, vector<16xf32>,
        tpu.vector_store %arg22[%swap3A_173], %neg3A_172 {strides = array<i32>} : memref<2048xf32, #tpu.memory_space<vmem>>, vector<16xf32>,
        %neg3A_175 = arith.constant 0.000000e+00 : f32
        %neg3A_176 = vector.broadcast %neg3A_175 : f32 to vector<16xf32>
        %neg3A_177 = arith.subf %neg3A_176, %mul3A_164 : vector<16xf32>
        %swap3A_178 = arith.index_cast %mul3A_107 : i32 to index
        %swap3A_179 = tpu.vector_load %arg23[%swap3A_178] {strides = array<i32>} : memref<2048xf32, #tpu.memory_space<vmem>>, vector<16xf32>,
        tpu.vector_store %arg23[%swap3A_178], %neg3A_177 {strides = array<i32>} : memref<2048xf32, #tpu.memory_space<vmem>>, vector<16xf32>,
        %neg3A_180 = arith.constant 0.000000e+00 : f32
        %neg3A_181 = vector.broadcast %neg3A_180 : f32 to vector<16xf32>
        %neg3A_182 = arith.subf %neg3A_181, %mul3A_165 : vector<16xf32>
        %swap3A_183 = arith.index_cast %mul3A_107 : i32 to index
        %swap3A_184 = tpu.vector_load %arg24[%swap3A_183] {strides = array<i32>} : memref<2048xf32, #tpu.memory_space<vmem>>, vector<16xf32>,
        tpu.vector_store %arg24[%swap3A_183], %neg3A_182 {strides = array<i32>} : memref<2048xf32, #tpu.memory_space<vmem>>, vector<16xf32>,
      }
      %scan3A_76 = arith.constant 128 : i32
      %dma_start3A_77 = arith.constant 0 : i32
      %dma_start3A_78 = tpu.memref_slice %arg31[%dma_start3A_77] : memref<100096xf32, #tpu.memory_space<vmem_shared>> -> memref<100096xf32, #tpu.memory_space<vmem_shared>>
      tpu.enqueue_indirect_dma source(%arg22 : memref<2048xf32, #tpu.memory_space<vmem>>) target(%dma_start3A_78 : memref<100096xf32, #tpu.memory_space<vmem_shared>>) offsets(%arg13 : memref<2048xi32, #tpu.memory_space<vmem>>) semaphore(%arg35 : memref<!tpu.dma_semaphore, #tpu.memory_space<semaphore_mem>>) {add = true}
      %dma_start3A_79 = arith.constant 0 : i32
      %dma_start3A_80 = tpu.memref_slice %arg32[%dma_start3A_79] : memref<100096xf32, #tpu.memory_space<vmem_shared>> -> memref<100096xf32, #tpu.memory_space<vmem_shared>>
      tpu.enqueue_indirect_dma source(%arg23 : memref<2048xf32, #tpu.memory_space<vmem>>) target(%dma_start3A_80 : memref<100096xf32, #tpu.memory_space<vmem_shared>>) offsets(%arg13 : memref<2048xi32, #tpu.memory_space<vmem>>) semaphore(%arg35 : memref<!tpu.dma_semaphore, #tpu.memory_space<semaphore_mem>>) {add = true}
      %dma_start3A_81 = arith.constant 0 : i32
      %dma_start3A_82 = tpu.memref_slice %arg33[%dma_start3A_81] : memref<100096xf32, #tpu.memory_space<vmem_shared>> -> memref<100096xf32, #tpu.memory_space<vmem_shared>>
      tpu.enqueue_indirect_dma source(%arg24 : memref<2048xf32, #tpu.memory_space<vmem>>) target(%dma_start3A_82 : memref<100096xf32, #tpu.memory_space<vmem_shared>>) offsets(%arg13 : memref<2048xi32, #tpu.memory_space<vmem>>) semaphore(%arg35 : memref<!tpu.dma_semaphore, #tpu.memory_space<semaphore_mem>>) {add = true}
      %dma_start3A_83 = arith.constant 0 : i32
      %dma_start3A_84 = tpu.memref_slice %arg31[%dma_start3A_83] : memref<100096xf32, #tpu.memory_space<vmem_shared>> -> memref<100096xf32, #tpu.memory_space<vmem_shared>>
      tpu.enqueue_indirect_dma source(%arg25 : memref<2048xf32, #tpu.memory_space<vmem>>) target(%dma_start3A_84 : memref<100096xf32, #tpu.memory_space<vmem_shared>>) offsets(%arg14 : memref<2048xi32, #tpu.memory_space<vmem>>) semaphore(%arg35 : memref<!tpu.dma_semaphore, #tpu.memory_space<semaphore_mem>>) {add = true}
      %dma_start3A_85 = arith.constant 0 : i32
      %dma_start3A_86 = tpu.memref_slice %arg32[%dma_start3A_85] : memref<100096xf32, #tpu.memory_space<vmem_shared>> -> memref<100096xf32, #tpu.memory_space<vmem_shared>>
      tpu.enqueue_indirect_dma source(%arg26 : memref<2048xf32, #tpu.memory_space<vmem>>) target(%dma_start3A_86 : memref<100096xf32, #tpu.memory_space<vmem_shared>>) offsets(%arg14 : memref<2048xi32, #tpu.memory_space<vmem>>) semaphore(%arg35 : memref<!tpu.dma_semaphore, #tpu.memory_space<semaphore_mem>>) {add = true}
      %dma_start3A_87 = arith.constant 0 : i32
      %dma_start3A_88 = tpu.memref_slice %arg33[%dma_start3A_87] : memref<100096xf32, #tpu.memory_space<vmem_shared>> -> memref<100096xf32, #tpu.memory_space<vmem_shared>>
      tpu.enqueue_indirect_dma source(%arg27 : memref<2048xf32, #tpu.memory_space<vmem>>) target(%dma_start3A_88 : memref<100096xf32, #tpu.memory_space<vmem_shared>>) offsets(%arg14 : memref<2048xi32, #tpu.memory_space<vmem>>) semaphore(%arg35 : memref<!tpu.dma_semaphore, #tpu.memory_space<semaphore_mem>>) {add = true}
      %dma_wait3A_89 = arith.constant 0 : i32
      %dma_wait3A_90 = tpu.memref_slice %arg31[%dma_wait3A_89] : memref<100096xf32, #tpu.memory_space<vmem_shared>> -> memref<100096xf32, #tpu.memory_space<vmem_shared>>
      tpu.wait_indirect_dma semaphore(%arg35 : memref<!tpu.dma_semaphore, #tpu.memory_space<semaphore_mem>>) src(%arg22 : memref<2048xf32, #tpu.memory_space<vmem>>) dst(%dma_wait3A_90 : memref<100096xf32, #tpu.memory_space<vmem_shared>>)
      %dma_wait3A_91 = arith.constant 0 : i32
      %dma_wait3A_92 = tpu.memref_slice %arg32[%dma_wait3A_91] : memref<100096xf32, #tpu.memory_space<vmem_shared>> -> memref<100096xf32, #tpu.memory_space<vmem_shared>>
      tpu.wait_indirect_dma semaphore(%arg35 : memref<!tpu.dma_semaphore, #tpu.memory_space<semaphore_mem>>) src(%arg23 : memref<2048xf32, #tpu.memory_space<vmem>>) dst(%dma_wait3A_92 : memref<100096xf32, #tpu.memory_space<vmem_shared>>)
      %dma_wait3A_93 = arith.constant 0 : i32
      %dma_wait3A_94 = tpu.memref_slice %arg33[%dma_wait3A_93] : memref<100096xf32, #tpu.memory_space<vmem_shared>> -> memref<100096xf32, #tpu.memory_space<vmem_shared>>
      tpu.wait_indirect_dma semaphore(%arg35 : memref<!tpu.dma_semaphore, #tpu.memory_space<semaphore_mem>>) src(%arg24 : memref<2048xf32, #tpu.memory_space<vmem>>) dst(%dma_wait3A_94 : memref<100096xf32, #tpu.memory_space<vmem_shared>>)
      %dma_wait3A_95 = arith.constant 0 : i32
      %dma_wait3A_96 = tpu.memref_slice %arg31[%dma_wait3A_95] : memref<100096xf32, #tpu.memory_space<vmem_shared>> -> memref<100096xf32, #tpu.memory_space<vmem_shared>>
      tpu.wait_indirect_dma semaphore(%arg35 : memref<!tpu.dma_semaphore, #tpu.memory_space<semaphore_mem>>) src(%arg25 : memref<2048xf32, #tpu.memory_space<vmem>>) dst(%dma_wait3A_96 : memref<100096xf32, #tpu.memory_space<vmem_shared>>)
      %dma_wait3A_97 = arith.constant 0 : i32
      %dma_wait3A_98 = tpu.memref_slice %arg32[%dma_wait3A_97] : memref<100096xf32, #tpu.memory_space<vmem_shared>> -> memref<100096xf32, #tpu.memory_space<vmem_shared>>
      tpu.wait_indirect_dma semaphore(%arg35 : memref<!tpu.dma_semaphore, #tpu.memory_space<semaphore_mem>>) src(%arg26 : memref<2048xf32, #tpu.memory_space<vmem>>) dst(%dma_wait3A_98 : memref<100096xf32, #tpu.memory_space<vmem_shared>>)
      %dma_wait3A_99 = arith.constant 0 : i32
      %dma_wait3A_100 = tpu.memref_slice %arg33[%dma_wait3A_99] : memref<100096xf32, #tpu.memory_space<vmem_shared>> -> memref<100096xf32, #tpu.memory_space<vmem_shared>>
      tpu.wait_indirect_dma semaphore(%arg35 : memref<!tpu.dma_semaphore, #tpu.memory_space<semaphore_mem>>) src(%arg27 : memref<2048xf32, #tpu.memory_space<vmem>>) dst(%dma_wait3A_100 : memref<100096xf32, #tpu.memory_space<vmem_shared>>)
    }
    %barrier3A_27 = arith.constant 0 : index
    tpu.barrier barrier_id(%barrier3A_27)
    %mul3A_28 = arith.constant 3 : i32
    %mul3A_29 = arith.muli %arg0, %mul3A_28 : i32
    %mul3A_30 = arith.constant 100096 : i32
    %mul3A_31 = arith.muli %mul3A_29, %mul3A_30 : i32
    %add3A_32 = arith.addi %mul3A_31, %mul3A_2 : i32
    "tpu.region"() ({
      %run_scoped3A = tpu.sem_alloc : memref<!tpu.dma_semaphore, #tpu.memory_space<semaphore_mem>>
      %dma_start3A = tpu.memref_slice %arg12[%add3A_32] : memref<600576xf32, #tpu.memory_space<hbm>> -> memref<6256xf32, #tpu.memory_space<hbm>>
      %dma_start3A_39 = tpu.memref_slice %arg31[%mul3A_2] : memref<100096xf32, #tpu.memory_space<vmem_shared>> -> memref<6256xf32, #tpu.memory_space<vmem_shared>>
      tpu.enqueue_dma source(%dma_start3A_39 : memref<6256xf32, #tpu.memory_space<vmem_shared>>) target(%dma_start3A : memref<6256xf32, #tpu.memory_space<hbm>>) target_semaphore(%run_scoped3A : memref<!tpu.dma_semaphore, #tpu.memory_space<semaphore_mem>>)
      %dma_wait3A = tpu.memref_slice %arg12[%add3A_32] : memref<600576xf32, #tpu.memory_space<hbm>> -> memref<6256xf32, #tpu.memory_space<hbm>>
      %dma_wait3A_40 = tpu.memref_slice %arg31[%mul3A_2] : memref<100096xf32, #tpu.memory_space<vmem_shared>> -> memref<6256xf32, #tpu.memory_space<vmem_shared>>
      tpu.wait_dma2 semaphore(%run_scoped3A : memref<!tpu.dma_semaphore, #tpu.memory_space<semaphore_mem>>) src(%dma_wait3A_40 : memref<6256xf32, #tpu.memory_space<vmem_shared>>) dst(%dma_wait3A : memref<6256xf32, #tpu.memory_space<hbm>>)
      tpu.yield
    }) : () -> ()
    %add3A_33 = arith.constant 100096 : i32
    %add3A_34 = arith.addi %mul3A_31, %add3A_33 : i32
    %add3A_35 = arith.addi %add3A_34, %mul3A_2 : i32
    "tpu.region"() ({
      %run_scoped3A = tpu.sem_alloc : memref<!tpu.dma_semaphore, #tpu.memory_space<semaphore_mem>>
      %dma_start3A = tpu.memref_slice %arg12[%add3A_35] : memref<600576xf32, #tpu.memory_space<hbm>> -> memref<6256xf32, #tpu.memory_space<hbm>>
      %dma_start3A_39 = tpu.memref_slice %arg32[%mul3A_2] : memref<100096xf32, #tpu.memory_space<vmem_shared>> -> memref<6256xf32, #tpu.memory_space<vmem_shared>>
      tpu.enqueue_dma source(%dma_start3A_39 : memref<6256xf32, #tpu.memory_space<vmem_shared>>) target(%dma_start3A : memref<6256xf32, #tpu.memory_space<hbm>>) target_semaphore(%run_scoped3A : memref<!tpu.dma_semaphore, #tpu.memory_space<semaphore_mem>>)
      %dma_wait3A = tpu.memref_slice %arg12[%add3A_35] : memref<600576xf32, #tpu.memory_space<hbm>> -> memref<6256xf32, #tpu.memory_space<hbm>>
      %dma_wait3A_40 = tpu.memref_slice %arg32[%mul3A_2] : memref<100096xf32, #tpu.memory_space<vmem_shared>> -> memref<6256xf32, #tpu.memory_space<vmem_shared>>
      tpu.wait_dma2 semaphore(%run_scoped3A : memref<!tpu.dma_semaphore, #tpu.memory_space<semaphore_mem>>) src(%dma_wait3A_40 : memref<6256xf32, #tpu.memory_space<vmem_shared>>) dst(%dma_wait3A : memref<6256xf32, #tpu.memory_space<hbm>>)
      tpu.yield
    }) : () -> ()
    %add3A_36 = arith.constant 200192 : i32
    %add3A_37 = arith.addi %mul3A_31, %add3A_36 : i32
    %add3A_38 = arith.addi %add3A_37, %mul3A_2 : i32
    "tpu.region"() ({
      %run_scoped3A = tpu.sem_alloc : memref<!tpu.dma_semaphore, #tpu.memory_space<semaphore_mem>>
      %dma_start3A = tpu.memref_slice %arg12[%add3A_38] : memref<600576xf32, #tpu.memory_space<hbm>> -> memref<6256xf32, #tpu.memory_space<hbm>>
      %dma_start3A_39 = tpu.memref_slice %arg33[%mul3A_2] : memref<100096xf32, #tpu.memory_space<vmem_shared>> -> memref<6256xf32, #tpu.memory_space<vmem_shared>>
      tpu.enqueue_dma source(%dma_start3A_39 : memref<6256xf32, #tpu.memory_space<vmem_shared>>) target(%dma_start3A : memref<6256xf32, #tpu.memory_space<hbm>>) target_semaphore(%run_scoped3A : memref<!tpu.dma_semaphore, #tpu.memory_space<semaphore_mem>>)
      %dma_wait3A = tpu.memref_slice %arg12[%add3A_38] : memref<600576xf32, #tpu.memory_space<hbm>> -> memref<6256xf32, #tpu.memory_space<hbm>>
      %dma_wait3A_40 = tpu.memref_slice %arg33[%mul3A_2] : memref<100096xf32, #tpu.memory_space<vmem_shared>> -> memref<6256xf32, #tpu.memory_space<vmem_shared>>
      tpu.wait_dma2 semaphore(%run_scoped3A : memref<!tpu.dma_semaphore, #tpu.memory_space<semaphore_mem>>) src(%dma_wait3A_40 : memref<6256xf32, #tpu.memory_space<vmem_shared>>) dst(%dma_wait3A : memref<6256xf32, #tpu.memory_space<hbm>>)
      tpu.yield
    }) : () -> ()
    return
  }
}

module attributes {stable_mosaic.version = 14 : i64} {
  func.func @body(%arg0: memref<2346x128xf32, #tpu.memory_space<vmem>>, %arg1: memref<2346x128xf32, #tpu.memory_space<vmem>>, %arg2: memref<2346x128xf32, #tpu.memory_space<vmem>>) attributes {dimension_semantics = [], scalar_prefetch = 0 : i64, scratch_operands = 0 : i64, tpu.core_type = #tpu.core_type<tc>} {
    %get3A = arith.constant 0 : index
    %get3A_0 = arith.constant 0 : index
    %get3A_1 = vector.load %arg0[%get3A, %get3A_0] : memref<2346x128xf32, #tpu.memory_space<vmem>>, vector<2346x128xf32>
    %get3A_2 = arith.constant 0 : index
    %get3A_3 = arith.constant 0 : index
    %get3A_4 = vector.load %arg1[%get3A_2, %get3A_3] : memref<2346x128xf32, #tpu.memory_space<vmem>>, vector<2346x128xf32>
    %add3A = arith.addf %get3A_1, %get3A_4 : vector<2346x128xf32>
    %swap3A = arith.constant 0 : index
    %swap3A_5 = arith.constant 0 : index
    %swap3A_6 = vector.load %arg2[%swap3A, %swap3A_5] : memref<2346x128xf32, #tpu.memory_space<vmem>>, vector<2346x128xf32>
    tpu.vector_store %arg2[%swap3A, %swap3A_5], %add3A {strides = array<i32>} : memref<2346x128xf32, #tpu.memory_space<vmem>>, vector<2346x128xf32>,
    return
  }
}

</mosaic_0001>

<sc_bundles>
// kernel: kernel.4.cloned.1.call-start
scs
__scs_entry_jumppad:
0x0: {  	(pc) =	sbr.rel $0x88, $3  }
0x1: {  	(tag) =	ssettag $0x0;
	lr =	simm.s32 $0x1  }
0x2: {  	[smem:$0x3F9D] =	sst lr;
	_ =	strace $0xD0000000  }
0x3: {  	_ = 	snop  }
0x4: {  	_ = 	snop  }
0x5: {  	_ = 	snop  }
0x6: {  	_ = 	snop  }
0x7: {  	_ = 	snop  }
__scs_overlays_trampoline_lowered:
0x8: {  	[smem:$0x3FAC] =	sst s0  }
0x9: {  	[smem:$0x3FAD] =	sst s1  }
0xa: {  	[smem:$0x3FAE] =	sst s2  }
0xb: {  	[smem:$0x3FAF] =	sst s3  }
0xc: {  	[smem:$0x3FB0] =	sst s4  }
0xd: {  	[smem:$0x3FB1] =	sst s5  }
0xe: {  	[smem:$0x3FB2] =	sst s6  }
0xf: {  	[smem:$0x3FB3] =	sst s7  }
0x10: {  	[smem:$0x3FB4] =	sst s8  }
0x11: {  	[smem:$0x3FB5] =	sst s9;
	s0 =	simm.s32 @!p0 $0x0  }
0x12: {  	s1 =	sld [smem:$0x3F9B];
	s0 =	simm.s32 @p0 $0x1  }
0x13: {  	[smem:$0x3FB6] =	sst s0;
	s0 =	simm.s32 @!p1 $0x0  }
0x14: {  	s2 =	sld [smem:$0x3F9A];
	s0 =	simm.s32 @p1 $0x1  }
0x15: {  	[smem:$0x3FB7] =	sst s0;
	s0 =	simm.s32 @!p2 $0x0  }
0x16: {  	s3 =	sld [smem:$0x3FDB];
	s0 =	simm.s32 @p2 $0x1  }
0x17: {  	s4 =	simm.s32 $0x1BF5;
	[smem:$0x3FB9] =	sst s0  }
0x18: {  	s0 =	sld [smem:$0x3F9C];
	_ =	swait.ge [sflag:s4], $0x0  }
0x19: {  	s7 =	sld [smem:$0x3F9D]  }
0x1a: {  	s8 =	sadd.s32 $0xFFFFE003, lr  }
0x1b: {  	s9 =	sadd.s32 $0xFFFFFEF7, lr;
	s5 =	simm.s32 $0xFFFFFFFF;
	p2 =	slt.u32 s8, $0xFFFFF086  }
0x1c: {  	p1 =	slt.u32 s9, $0xF7A;
	s5 =	simm.s32 @!p2 $0x0  }
0x1d: {  	s5 =	simm.s32 @p1 $0x1;
	p0 =	seq.s32 s7, s2  }
0x1e: {  	s7 =	smul.u32 @!p0 $0xF7A, s2;
	p2 =	seq.s32 @!p0 s5, $0x0  }
0x1f: {  	s9 =	smul.u32 $0xF7A, s1;
	s8 =	simm.s32 @!p0 $0x1BF5;
	p2 =	por !p2, p0  }
0x20: {  	[sflag:s8] =	ssyncset.s32 @!p0 $0xFFFFF086;
	s6 =	sadd.s32 @!p0 s3, s7;
	s7 =	simm.s32 @!p0 $0x108  }
0x21: {  	s3 =	sadd.s32 s3, s9;
	s6 =	sadd.s32 @!p0 $0x88, s6;
	s7 =	simm.s32 @p2 $0x1082  }
0x22: {  	[simem:s7], [sflag:s8] =	dma.local @!p0 [hbm:s6], $0xF7A  }
0x23: {  	s9 =	sor.u32 $0xD0000000, s2;
	s6 =	simm.s32 $0x108;
	_ =	swait.ge @!p0 [sflag:s8], $0x0  }
0x24: {  	s3 =	sadd.s32 $0x88, s3;
	s6 =	simm.s32 @!p1 $0x1082;
	[sflag:s4] =	ssyncset.s32 $0xFFFFF086  }
0x25: {  	[simem:s6], [sflag:s4] =	dma.local [hbm:s3], $0xF7A  }
0x26: {  	[smem:$0x3F9D] =	sst s1;
	(tag) =	ssettag s2;
	_ =	strace s9  }
0x27: {  	s1 =	sld [smem:$0x3FAD]  }
0x28: {  	s2 =	sld [smem:$0x3FAE]  }
0x29: {  	s4 =	sld [smem:$0x3FB0]  }
0x2a: {  	p0 =	seq.s32 s5, $0x0;
	s5 =	sld [smem:$0x3FB1]  }
0x2b: {  	s6 =	sld [smem:$0x3FB2]  }
0x2c: {  	s7 =	sld [smem:$0x3FB3]  }
0x2d: {  	s3 =	simm.s32 $0x108;
	s8 =	sld [smem:$0x3FB4]  }
0x2e: {  	s3 =	simm.s32 @!p0 $0x1082;
	s9 =	sld [smem:$0x3FB5]  }
0x2f: {  	lr =	sadd.s32 s0, s3;
	s0 =	sld [smem:$0x3FAC]  }
0x30: {  	s3 =	sld [smem:$0x3FAF]  }
0x31: {  	[smem:$0x3FB8] =	sst s10  }
0x32: {  	s10 =	sld [smem:$0x3FB6];
	_ =	sdelay $0x3  }
0x33: {  	p0 =	seq.s32 s10, $0x1;
	s10 =	sld [smem:$0x3FB8];
	_ =	sdelay $0x3  }
0x34: {  	[smem:$0x3FB8] =	sst s10  }
0x35: {  	s10 =	sld [smem:$0x3FB7];
	_ =	sdelay $0x3  }
0x36: {  	p1 =	seq.s32 s10, $0x1;
	s10 =	sld [smem:$0x3FB8];
	_ =	sdelay $0x3  }
0x37: {  	[smem:$0x3FB8] =	sst s10  }
0x38: {  	s10 =	sld [smem:$0x3FB9]  }
0x39: {  	_ = 	snop;
	(pc) =	sbr.ind lr, $3  }
0x3a: {  	_ = 	snop  }
0x3b: {  	_ = 	snop  }
0x3c: {  	p2 =	seq.s32 s10, $0x1;
	s10 =	sld [smem:$0x3FB8]  }
0x3d: {  	_ =	shalt  }
0x3e: {  	_ =	shalt  }
0x3f: {  	_ =	shalt  }
0x40: {  	_ =	shalt  }
0x41: {  	_ =	shalt  }
0x42: {  	_ =	shalt  }
0x43: {  	_ =	shalt  }
0x44: {  	_ =	shalt  }
0x45: {  	_ =	shalt  }
0x46: {  	_ =	shalt  }
0x47: {  	_ =	shalt  }
0x48: {  	_ =	shalt  }
0x49: {  	_ =	shalt  }
0x4a: {  	_ =	shalt  }
0x4b: {  	_ =	shalt  }
0x4c: {  	_ =	shalt  }
0x4d: {  	_ =	shalt  }
0x4e: {  	_ =	shalt  }
0x4f: {  	_ =	shalt  }
0x50: {  	_ =	shalt  }
0x51: {  	_ =	shalt  }
0x52: {  	_ =	shalt  }
0x53: {  	_ =	shalt  }
0x54: {  	_ =	shalt  }
0x55: {  	_ =	shalt  }
0x56: {  	_ =	shalt  }
0x57: {  	_ =	shalt  }
0x58: {  	_ =	shalt  }
0x59: {  	_ =	shalt  }
0x5a: {  	_ =	shalt  }
0x5b: {  	_ =	shalt  }
0x5c: {  	_ =	shalt  }
0x5d: {  	_ =	shalt  }
0x5e: {  	_ =	shalt  }
0x5f: {  	_ =	shalt  }
0x60: {  	_ =	shalt  }
0x61: {  	_ =	shalt  }
0x62: {  	_ =	shalt  }
0x63: {  	_ =	shalt  }
0x64: {  	_ =	shalt  }
0x65: {  	_ =	shalt  }
0x66: {  	_ =	shalt  }
0x67: {  	_ =	shalt  }
0x68: {  	_ =	shalt  }
0x69: {  	_ =	shalt  }
0x6a: {  	_ =	shalt  }
0x6b: {  	_ =	shalt  }
0x6c: {  	_ =	shalt  }
0x6d: {  	_ =	shalt  }
0x6e: {  	_ =	shalt  }
0x6f: {  	_ =	shalt  }
0x70: {  	_ =	shalt  }
0x71: {  	_ =	shalt  }
0x72: {  	_ =	shalt  }
0x73: {  	_ =	shalt  }
0x74: {  	_ =	shalt  }
0x75: {  	_ =	shalt  }
0x76: {  	_ =	shalt  }
0x77: {  	_ =	shalt  }
0x78: {  	_ =	shalt  }
0x79: {  	_ =	shalt  }
0x7a: {  	_ =	shalt  }
0x7b: {  	_ =	shalt  }
0x7c: {  	_ =	shalt  }
0x7d: {  	_ =	shalt  }
0x7e: {  	_ =	shalt  }
0x7f: {  	_ =	shalt  }
0x80: {  	_ =	shalt  }
0x81: {  	_ =	shalt  }
0x82: {  	_ =	shalt  }
0x83: {  	_ =	shalt  }
0x84: {  	_ =	shalt  }
0x85: {  	_ =	shalt  }
0x86: {  	_ =	shalt  }
0x87: {  	_ =	shalt  }
.Lfunc_end0:
.L_simem_size_0:
called_computation_lowered:
.L_overlay_start_0:
0x88: {  	s2 =	sld [smem:$0x3FD9]  }
0x89: {  	s3 =	sld [smem:$0x3FFE];
	_ =	sdelay $0x1  }
0x8a: {  	s1 =	srdreg.scid  }
0x8b: {  	s0 =	sand.u32 $0x1, s1  }
0x8c: {  	s17 =	sshll.u32 s0, $0xA;
	s2 =	sadd.s32 s3, s2  }
0x8d: {  	s2 =	sadd.s32 s2, s17  }
0x8e: {  	[smem:$0x3FC4] =	sst s2  }
0x8f: {  	_ = 	snop  }
0x90: {  	s2 =	sld [smem:$0x3FC7]  }
0x91: {  	s18 =	sld [smem:$0x3FD0];
	(tm) =	ssettm $0x1  }
0x92: {  	s4 =	sld [smem:$0x3FFB];
	_ =	sdelay $0x3  }
0x93: {  	_ =	strace s4  }
0x94: {  	s4 =	sld [smem:$0x3FFC];
	_ =	sdelay $0x3  }
0x95: {  	_ =	strace s4  }
0x96: {  	s4 =	sld [smem:$0x3FFD];
	_ =	sdelay $0x3  }
0x97: {  	_ =	strace s4  }
0x98: {  	_ =	strace $0x8FFFFFFF  }
0x99: {  	s19 =	sld [smem:$0x3FDB];
	_ =	sdelay $0x1  }
0x9a: {  	s5 =	simm.s32 $_scs_section_size  }
0x9b: {  	s6 =	simm.s32 $_size__tile_overlayer_lowered;
	s7 =	simm.s32 $_tile_overlayer_lowered  }
0x9c: {  	s22 =	simm.s32 $0x1BFF;
	s21 =	sshll.u32 s7, $0x1;
	s4 =	sadd.s32 s5, s19  }
0x9d: {  	s8 =	simm.s32 $0x0;
	s20 =	sshll.u32 s6, $0x1;
	s6 =	sadd.s32 s21, s4  }
0x9e: {  	[timem:s8], [sflag:s22] =	dma.local [hbm:s6], s20  }
0x9f: {  	_ =	swait.ge [sflag:s22], s20  }
0xa0: {  	s5 =	ssub.s32 $0x0, s20;
	[sflag:s22] =	ssyncset.done $0x0  }
0xa1: {  	[sflag:s22] =	ssyncadd.s32 s5;
	_ =	sdelay $0x1  }
0xa2: {  	s23 =	simm.s32 $0x1B8B  }
0xa3: {  	_ =	swait.ge [sflag:s23], $0x1  }
0xa4: {  	[sflag:s23] =	ssyncset.done $0x0  }
0xa5: {  	s25 =	simm.s32 $0x1B8E;
	s24 =	sld [smem:$0x3FFE];
	[sflag:s23] =	ssyncadd.s32 $0xFFFFFFFF  }
0xa6: {  	s26 =	simm.s32 $execute0_lowered;
	[smem:$0x3FD2] =	sst s25  }
0xa7: {  	s6 =	sshll.u32 s26, $0x1;
	_ =	strace $0x80000046;
	[dreg:$0x1] =	wrdreg $0xFFFFFFFF  }
0xa8: {  	s28 =	simm.s32 $_size_execute0_lowered;
	s4 =	sadd.s32 s4, s6;
	[dreg:$0x0] =	wrdreg $0x0  }
0xa9: {  	s6 =	sshll.u32 s28, $0x1;
	[dreg:$0x2] =	wrdreg s4  }
0xaa: {  	[dreg:$0x3] =	wrdreg s6  }
0xab: {  	[dreg:$0x4] =	wrdreg $0xC0  }
0xac: {  	_ =	task [dreg:s8], $0x5FFFF  }
0xad: {  	[dreg:$0x1] =	wrdreg $0xFFFFFFFF  }
0xae: {  	[dreg:$0x0] =	wrdreg $0x60  }
0xaf: {  	[dreg:$0x2] =	wrdreg s18  }
0xb0: {  	[dreg:$0x3] =	wrdreg s24  }
0xb1: {  	[dreg:$0x4] =	wrdreg s2  }
0xb2: {  	[dreg:$0x5] =	wrdreg $0x78000  }
0xb3: {  	[dreg:$0x6] =	wrdreg $0x90700  }
0xb4: {  	[dreg:$0x7] =	wrdreg $0xA8E00  }
0xb5: {  	[dreg:$0x8] =	wrdreg $0xC1500  }
0xb6: {  	[dreg:$0x9] =	wrdreg $0xD9C00  }
0xb7: {  	[dreg:$0xa] =	wrdreg $0xF2300  }
0xb8: {  	[dreg:$0xb] =	wrdreg $0x9  }
0xb9: {  	_ =	task.clear_ibuf [dreg:s8], $0xCFFFF;
	_ =	strace $0x90000046  }
0xba: {  	s29 =	simm.s32 $0x9;
	_ =	strace $0x80000048  }
0xbb: {  	_ =	swait.ge [sflag:s29], $0x1  }
0xbc: {  	[sflag:s29] =	ssyncadd.s32 $0xFFFFFFFF  }
0xbd: {  	_ =	strace $0x90000048  }
0xbe: {  	_ =	sfence  }
0xbf: {  	s30 =	sld [smem:$0x0];
	_ =	sdelay $0x2  }
0xc0: {  	s31 =	sshll.u32 s1, $0xD;
	s1 =	sshrl.u32 s1, $0x2  }
0xc1: {  	s3 =	sand.u32 $0x4000, s31;
	s1 =	sadd.s32 s1, s30  }
0xc2: {  	s0 =	sor.u32 s3, s0;
	s1 =	sshll.u32 s1, $0x11  }
0xc3: {  	s0 =	sor.u32 s1, s0  }
0xc4: {  	s0 =	sadd.s32 $0x8F2B, s0  }
0xc5: {  	[sflag:s0] =	ssyncadd.remote.s32 $0x1  }
0xc6: {  	_ =	sfence.sel $0xFFFF  }
0xc7: {  	[dreg:$0x0] =	wrdreg $0xFFFFFFFF;
	(pc) =	sbr.abs _section_cstart, $3  }
0xc8: {  	[dreg:$0x1] =	wrdreg $0xFFFFFFFF  }
0xc9: {  	_ =	task.clear_ibuf [dreg:s8], $0x2FFFF;
	_ =	strace $0x9FFFFFFF  }
0xca: {  	(tm) =	ssettm $0x7FFFFFFF  }
0xcb: {  	_ =	shalt  }
tec
execute0_lowered:
.L_overlay_start_1:
0x0: {  	(tag) =	ssettag $0x1  }
0x1: {  	s0 =	rddreg [dreg:$0x0]  }
0x2: {  	s1 =	rddreg [dreg:$0x1]  }
0x3: {  	s2 =	rddreg [dreg:$0x3]  }
0x4: {  	s3 =	rddreg [dreg:$0x4]  }
0x5: {  	s4 =	rddreg [dreg:$0x5]  }
0x6: {  	s5 =	rddreg [dreg:$0x6]  }
0x7: {  	s7 =	rddreg [dreg:$0x7]  }
0x8: {  	s8 =	rddreg [dreg:$0x8]  }
0x9: {  	s6 =	srdreg.scid;
	s17 =	stileid.u32  }
0xa: {  	s9 =	simm.s32 $0x0;
	s28 =	simm.s32 $0x4000;
	s29 =	simm.s32 $0x1  }
0xb: {  	s30 =	simm.s32 $0x4800;
	s31 =	simm.s32 $0x5000;
	s6 =	sand.u32 $0x1, s6  }
0xc: {  	s12 =	smul.u32 $0x1870, s17;
	[smem:$0x7FF] =	sst s9;
	s10 =	sadd.s32 $0xD3000, s1  }
0xd: {  	s11 =	smul.u32 $0x49500, s6;
	_ =	strace $0x80000047;
	s14 =	ssub.s32 $0x2, s6  }
0xe: {  	s23 =	sshll.u32 s6, $0x4;
	s15 =	sshrl.u32 s14, $0x1;
	s16 =	sshrl.u32 s12, $0x3  }
0xf: {  	s18 =	sadd.s32 s12, s2;
	s24 =	sadd.s32 s12, s3;
	s21 =	sadd.s32 s12, s5  }
0x10: {  	s25 =	sadd.s32 s12, s4;
	s22 =	sadd.s32 s12, s7;
	[dreg:$0xd] =	wrdreg s21  }
0x11: {  	s13 =	sadd.s32 s12, s11;
	s0 =	sadd.s32 s0, s16;
	[dreg:$0xe] =	wrdreg s22  }
0x12: {  	s14 =	ssub.s32 s14, s15;
	s12 =	sadd.s32 s12, s8;
	[dreg:$0xa] =	wrdreg s0  }
0x13: {  	s15 =	sor.u32 s17, s23;
	s18 =	sshrl.u32 s18, $0x3;
	[dreg:$0xf] =	wrdreg s12  }
0x14: {  	s17 =	sshll.u32 s17, $0x6;
	s23 =	sshrl.u32 s25, $0x3;
	[dreg:$0x14] =	wrdreg s18  }
0x15: {  	s20 =	sadd.s32 s1, s16;
	p0 =	slt.u32 s15, $0x15;
	[dreg:$0x18] =	wrdreg s23  }
0x16: {  	s19 =	sshll.u32 s15, $0xB;
	s15 =	smax.u32 s14, $0x1;
	[dreg:$0xc] =	wrdreg s20  }
0x17: {  	s16 =	simm.s32 $0x62;
	s0 =	sshrl.u32 s24, $0x3;
	[dreg:$0x13] =	wrdreg s15  }
0x18: {  	s13 =	sshrl.u32 s13, $0x3;
	s24 =	sadd.s32 $0x3200, s20;
	[dreg:$0x17] =	wrdreg s0  }
0x19: {  	s17 =	sor.u32 $0x1C03, s17;
	s25 =	sadd.s32 $0xC800, s20;
	[dreg:$0x19] =	wrdreg s24  }
0x1a: {  	s13 =	sadd.s32 s13, s1;
	s16 =	simm.s32 @!p0 $0x61;
	[dreg:$0x1a] =	wrdreg s25  }
0x1b: {  	p0 =	sne.s32 s6, $0x0;
	s6 =	sadd.s32 $0x196600, s20;
	[dreg:$0xb] =	wrdreg s17  }
0x1c: {  	s11 =	sadd.s32 $0xFA00, s1;
	s26 =	sadd.s32 $0x199800, s13;
	[dreg:$0x15] =	wrdreg s6  }
0x1d: {  	s14 =	simm.s32 $0x6800;
	s12 =	sadd.s32 $0x19C8E0, s13;
	[dreg:$0x10] =	wrdreg s26  }
0x1e: {  	s1 =	simm.s32 $0x5800;
	s13 =	sadd.s32 $0x19F9C0, s13;
	[dreg:$0x11] =	wrdreg s12  }
0x1f: {  	s25 =	simm.s32 $0x7000;
	s15 =	simm.s32 $0x2;
	[dreg:$0x12] =	wrdreg s13  }
0x20: {  	s12 =	sadd.s32 $0x6400, s20;
	s26 =	sadd.s32 $0x9600, s20;
	s13 =	simm.s32 $0x0  }
0x21: {  	s12 =	smov.u32 @p0 s6;
	[dreg:$0x1b] =	wrdreg s26;
	s6 =	simm.s32 $0x3  }
0x22: {  	s26 =	simm.s32 $0x6000;
	[dreg:$0x16] =	wrdreg s12;
	s12 =	simm.s32 $0x800  }
.LBB2_1:
0x23: {  	[dreg:$0x1c] =	wrdreg s13  }
0x24: {  	s0 =	rddreg [dreg:$0xa]  }
0x25: {  	s20 =	rddreg [dreg:$0x14]  }
0x26: {  	[spmem:s20], [sflag:s17] =	dma.local [hbm:s0], $0x30E  }
0x27: {  	_ =	swait.ge [sflag:s6], $0x30E  }
0x28: {  	[sflag:s6] =	ssyncset.done $0x0;
	s23 =	rddreg [dreg:$0x17]  }
0x29: {  	s24 =	rddreg [dreg:$0x19];
	[sflag:s6] =	ssyncadd.s32 $0xFFFFFCF2  }
0x2a: {  	[spmem:s23], [sflag:s17] =	dma.local [hbm:s24], $0x30E  }
0x2b: {  	_ =	swait.ge [sflag:s6], $0x30E  }
0x2c: {  	[sflag:s6] =	ssyncset.done $0x0;
	s18 =	rddreg [dreg:$0xc]  }
0x2d: {  	s20 =	rddreg [dreg:$0x18];
	[sflag:s6] =	ssyncadd.s32 $0xFFFFFCF2  }
0x2e: {  	[spmem:s20], [sflag:s17] =	dma.local [hbm:s18], $0x30E  }
0x2f: {  	_ =	swait.ge [sflag:s6], $0x30E  }
0x30: {  	[sflag:s6] =	ssyncset.done $0x0  }
0x31: {  	s0 =	sshrl.u32 @p0 s21, $0x3;
	s18 =	rddreg [dreg:$0x15];
	[sflag:s6] =	ssyncadd.s32 $0xFFFFFCF2  }
0x32: {  	[spmem:s0], [sflag:s17] =	dma.local @p0 [hbm:s18], $0x30E  }
0x33: {  	s0 =	simm.s32 @p0 $0x3  }
0x34: {  	_ =	swait.ge @p0 [sflag:s0], $0x30E  }
0x35: {  	[sflag:s0] =	ssyncset.done @p0 $0x0  }
0x36: {  	s13 =	sshrl.u32 @p0 s22, $0x3;
	[sflag:s0] =	ssyncadd.s32 @p0 $0xFFFFFCF2  }
0x37: {  	[spmem:s13], [sflag:s17] =	dma.local @p0 [hbm:s18], $0x30E  }
0x38: {  	_ =	swait.ge @p0 [sflag:s0], $0x30E  }
0x39: {  	[sflag:s0] =	ssyncset.done @p0 $0x0  }
0x3a: {  	s13 =	rddreg [dreg:$0x1a];
	[sflag:s0] =	ssyncadd.s32 @p0 $0xFFFFFCF2;
	s0 =	sshrl.u32 @!p0 s21, $0x3  }
0x3b: {  	[spmem:s0], [sflag:s17] =	dma.local @!p0 [hbm:s13], $0x30E  }
0x3c: {  	s0 =	simm.s32 @!p0 $0x3  }
0x3d: {  	_ =	swait.ge @!p0 [sflag:s0], $0x30E  }
0x3e: {  	[sflag:s0] =	ssyncset.done @!p0 $0x0  }
0x3f: {  	s13 =	sshrl.u32 @!p0 s22, $0x3;
	s18 =	rddreg [dreg:$0x1b];
	[sflag:s0] =	ssyncadd.s32 @!p0 $0xFFFFFCF2  }
0x40: {  	[spmem:s13], [sflag:s17] =	dma.local @!p0 [hbm:s18], $0x30E  }
0x41: {  	_ =	swait.ge @!p0 [sflag:s0], $0x30E  }
0x42: {  	s22 =	rddreg [dreg:$0xf]  }
0x43: {  	[sflag:s0] =	ssyncset.done @!p0 $0x0;
	s24 =	rddreg [dreg:$0x16];
	s23 =	sshrl.u32 s22, $0x3  }
0x44: {  	[sflag:s0] =	ssyncadd.s32 @!p0 $0xFFFFFCF2;
	[dreg:$0x1d] =	wrdreg s23  }
0x45: {  	[spmem:s23], [sflag:s17] =	dma.local [hbm:s24], $0x30E  }
0x46: {  	_ =	swait.ge [sflag:s6], $0x30E  }
0x47: {  	[sflag:s6] =	ssyncset.done $0x0  }
0x48: {  	[sflag:s6] =	ssyncadd.s32 $0xFFFFFCF2  }
0x49: {  	s17 =	simm.s32 $0x0;
	[bflag:$0x0] =	sbarrier.arrive $0xFFFF  }
.LBB2_2:
0x4a: {  	s0 =	sshll.u32 s17, $0x10  }
0x4b: {  	s0 =	sor.u32 s19, s0  }
0x4c: {  	s0 =	sshrl.u32 s0, $0x3  }
0x4d: {  	s18 =	simm.s32 $0x0;
	s13 =	sadd.s32 s10, s0  }
0x4e: {  	[tilespmem:s18], [sflag:$0x3] =	stream.linear.gather [hbm4b:s13+s18], $0x800, $0x38;
	[tilespmem:$0x10AA0] =	vst v63  }
0x4f: {  	_ =	swait.ge [sflag:s6], $0x800  }
0x50: {  	[sflag:s6] =	ssyncset.done $0x0  }
0x51: {  	s22 =	sadd.s32 s11, s0;
	[sflag:s6] =	ssyncadd.s32 $0xFFFFF800  }
0x52: {  	[tilespmem:s12], [sflag:$0x3] =	stream.linear.gather [hbm4b:s22+s18], $0x800, $0x38;
	[tilespmem:$0x10AA0] =	vst v63  }
0x53: {  	_ =	swait.ge [sflag:s6], $0x800  }
0x54: {  	[sflag:s6] =	ssyncset.done $0x0  }
0x55: {  	[sflag:s6] =	ssyncadd.s32 $0xFFFFF800  }
0x56: {  	s23 =	rddreg [dreg:$0x2]  }
0x57: {  	s24 =	simm.s32 $0x1000;
	s0 =	sadd.s32 s23, s0  }
0x58: {  	[tilespmem:s24], [sflag:$0x3] =	stream.linear.gather [hbm4b:s0+s18], $0x800, $0x38;
	[tilespmem:$0x10AA0] =	vst v63  }
0x59: {  	_ =	swait.ge [sflag:s6], $0x800  }
0x5a: {  	[sflag:s6] =	ssyncset.done $0x0  }
0x5b: {  	s20 =	simm.s32 $0x1800;
	[sflag:s6] =	ssyncadd.s32 $0xFFFFF800  }
0x5c: {  	[tilespmem:s20], [sflag:$0x1] =	stream.indirect.gather [spmem:s2], $0x1, s18, s12, $0xb8;
	[tilespmem:$0x10AA0] =	vst v63  }
0x5d: {  	s21 =	simm.s32 $0x2000  }
0x5e: {  	[tilespmem:s21], [sflag:$0x1] =	stream.indirect.gather [spmem:s3], $0x1, s18, s12, $0xb8;
	[tilespmem:$0x10AA0] =	vst v63  }
0x5f: {  	s22 =	simm.s32 $0x2800  }
0x60: {  	[tilespmem:s22], [sflag:$0x1] =	stream.indirect.gather [spmem:s4], $0x1, s18, s12, $0xb8;
	[tilespmem:$0x10AA0] =	vst v63  }
0x61: {  	s23 =	simm.s32 $0x3000  }
0x62: {  	[tilespmem:s23], [sflag:$0x1] =	stream.indirect.gather [spmem:s2], $0x1, s12, s12, $0xb8;
	[tilespmem:$0x10AA0] =	vst v63  }
0x63: {  	s24 =	simm.s32 $0x3800  }
0x64: {  	[tilespmem:s24], [sflag:$0x1] =	stream.indirect.gather [spmem:s3], $0x1, s12, s12, $0xb8;
	[tilespmem:$0x10AA0] =	vst v63  }
0x65: {  	_ = 	snop  }
0x66: {  	[tilespmem:s28], [sflag:$0x1] =	stream.indirect.gather [spmem:s4], $0x1, s12, s12, $0xb8;
	[tilespmem:$0x10AA0] =	vst v63  }
0x67: {  	_ =	swait.ge [sflag:s29], $0x800  }
0x68: {  	[sflag:s29] =	ssyncset.done $0x0  }
0x69: {  	[sflag:s29] =	ssyncadd.s32 $0xFFFFF800  }
0x6a: {  	_ =	swait.ge [sflag:s29], $0x800  }
0x6b: {  	[sflag:s29] =	ssyncset.done $0x0  }
0x6c: {  	[sflag:s29] =	ssyncadd.s32 $0xFFFFF800  }
0x6d: {  	_ =	swait.ge [sflag:s29], $0x800  }
0x6e: {  	[sflag:s29] =	ssyncset.done $0x0  }
0x6f: {  	[sflag:s29] =	ssyncadd.s32 $0xFFFFF800  }
0x70: {  	_ =	swait.ge [sflag:s29], $0x800  }
0x71: {  	[sflag:s29] =	ssyncset.done $0x0  }
0x72: {  	[sflag:s29] =	ssyncadd.s32 $0xFFFFF800  }
0x73: {  	_ =	swait.ge [sflag:s29], $0x800  }
0x74: {  	[sflag:s29] =	ssyncset.done $0x0  }
0x75: {  	[sflag:s29] =	ssyncadd.s32 $0xFFFFF800  }
0x76: {  	_ =	swait.ge [sflag:s29], $0x800  }
0x77: {  	[sflag:s29] =	ssyncset.done $0x0  }
0x78: {  	s21 =	simm.s32 $0x0;
	[sflag:s29] =	ssyncadd.s32 $0xFFFFF800  }
0x79: {  	v0 =	vld [tilespmem:s21+$0x3000]  }
0x7a: {  	v1 =	vld [tilespmem:s21+$0x1800]  }
0x7b: {  	v2 =	vld [tilespmem:s21+$0x3800]  }
0x7c: {  	v3 =	vld [tilespmem:s21+$0x2000]  }
0x7d: {  	v4 =	vld [tilespmem:s21+$0x4000]  }
0x7e: {  	v5 =	vld [tilespmem:s21+$0x2800];
	_ =	sdelay $0x2  }
0x7f: {  	v14 =	vsub.f32 v0, v1;
	v15 =	vsub.f32 v2, v3;
	_ =	sdelay $0x1  }
0x80: {  	s0 =	simm.s32 $0x10;
	v8 =	vsub.f32 v4, v5;
	v0 =	vmul.f32 v14, v14;
	v1 =	vmul.f32 v15, v15  }
0x81: {  	v6 =	vld [tilespmem:s0+$0x2000]  }
0x82: {  	v2 =	vld [tilespmem:s0+$0x3000];
	v4 =	vmul.f32 v8, v8;
	v0 =	vadd.f32 v1, v0  }
0x83: {  	v3 =	vld [tilespmem:s0+$0x1800]  }
0x84: {  	v1 =	vld [tilespmem:s0+$0x3800];
	v0 =	vadd.f32 v4, v0  }
0x85: {  	v7 =	vld [tilespmem:s0+$0x4000]  }
0x86: {  	v9 =	vld [tilespmem:s0+$0x2800];
	v4 =	vshra.s32 v0, $0x1;
	v10 =	vmul.f32 $5.000000000e-01, v0  }
0x87: {  	v0 =	vsub.s32 $0x5F3759DF, v4  }
0x88: {  	s13 =	simm.s32 $0x20;
	v11 =	vmul.f32 v0, v10  }
0x89: {  	v12 =	vld [tilespmem:s13+$0x2000];
	v5 =	vsub.f32 v2, v3;
	v4 =	vsub.f32 v1, v6  }
0x8a: {  	v2 =	vld [tilespmem:s13+$0x1800];
	v3 =	vmul.f32 v0, v11  }
0x8b: {  	v1 =	vld [tilespmem:s13+$0x3000];
	v6 =	vmul.f32 v5, v5;
	v11 =	vsub.f32 v7, v9;
	v7 =	vmul.f32 v4, v4  }
0x8c: {  	v9 =	vld [tilespmem:s13+$0x3800];
	v3 =	vsub.f32 $1.500000000e+00, v3  }
0x8d: {  	v16 =	vld [tilespmem:s13+$0x2800];
	v13 =	vmul.f32 v11, v11;
	v6 =	vadd.f32 v7, v6  }
0x8e: {  	v7 =	vld [tilespmem:s13+$0x4000];
	v17 =	vmul.f32 v0, v3  }
0x8f: {  	v6 =	vadd.f32 v13, v6  }
0x90: {  	s18 =	simm.s32 $0x30;
	v3 =	vsub.f32 v1, v2;
	v1 =	vmul.f32 v17, v10  }
0x91: {  	v19 =	vld [tilespmem:s18+$0x3800];
	v0 =	vsub.f32 v9, v12;
	v2 =	vshra.s32 v6, $0x1;
	v13 =	vmul.f32 $5.000000000e-01, v6  }
0x92: {  	v20 =	vld [tilespmem:s18+$0x2000];
	v9 =	vmul.f32 v3, v3;
	v2 =	vsub.s32 $0x5F3759DF, v2;
	v1 =	vmul.f32 v1, v17  }
0x93: {  	v12 =	vld [tilespmem:s18+$0x1800];
	v7 =	vsub.f32 v7, v16;
	v18 =	vmul.f32 v0, v0;
	v16 =	vmul.f32 v2, v13  }
0x94: {  	v6 =	vld [tilespmem:s18+$0x3000];
	v1 =	vsub.f32 $1.500000000e+00, v1  }
0x95: {  	v22 =	vld [tilespmem:s18+$0x2800];
	v21 =	vmul.f32 v7, v7;
	v9 =	vadd.f32 v18, v9;
	v16 =	vmul.f32 v2, v16  }
0x96: {  	v18 =	vld [tilespmem:s18+$0x4000];
	v17 =	vmul.f32 v1, v17  }
0x97: {  	v9 =	vadd.f32 v21, v9;
	v16 =	vsub.f32 $1.500000000e+00, v16  }
0x98: {  	v10 =	vmul.f32 v17, v10  }
0x99: {  	v1 =	vsub.f32 v6, v12;
	v12 =	vmul.f32 $5.000000000e-01, v9;
	v6 =	vmul.f32 v2, v16  }
0x9a: {  	v16 =	vshra.s32 v9, $0x1;
	v2 =	vsub.f32 v19, v20;
	v10 =	vmul.f32 v10, v17  }
0x9b: {  	s20 =	simm.s32 $0x40;
	v20 =	vld [tilespmem:s21+$0x1000];
	v9 =	vsub.f32 v18, v22;
	v16 =	vsub.s32 $0x5F3759DF, v16;
	v19 =	vmul.f32 v6, v13  }
0x9c: {  	v23 =	vld [tilespmem:s20+$0x1800];
	v21 =	vmul.f32 v1, v1;
	v22 =	vmul.f32 v16, v12;
	v10 =	vsub.f32 $1.500000000e+00, v10  }
0x9d: {  	v18 =	vld [tilespmem:s20+$0x3000];
	v24 =	vmul.f32 v2, v2;
	v19 =	vmul.f32 v19, v6  }
0x9e: {  	v25 =	vld [tilespmem:s20+$0x3800];
	v26 =	vmul.f32 v9, v9;
	v10 =	vmul.f32 v10, v17  }
0x9f: {  	v21 =	vadd.f32 v24, v21;
	v17 =	vmul.f32 v16, v22;
	v22 =	vld [tilespmem:s20+$0x2000];
	v19 =	vsub.f32 $1.500000000e+00, v19  }
0xa0: {  	v24 =	vld [tilespmem:s20+$0x4000];
	v27 =	vmul.f32 v10, v20  }
0xa1: {  	v10 =	vsub.f32 $1.500000000e+00, v17;
	v17 =	vld [tilespmem:s20+$0x2800];
	v20 =	vadd.f32 v26, v21;
	v26 =	vmul.f32 v19, v6  }
0xa2: {  	v6 =	vsub.f32 v18, v23;
	v18 =	vmul.f32 v27, v8  }
0xa3: {  	v28 =	vmul.f32 v16, v10;
	v10 =	vshra.s32 v20, $0x1;
	v19 =	vmul.f32 v26, v13  }
0xa4: {  	v13 =	vmul.f32 $5.000000000e-01, v20;
	v8 =	vsub.f32 v25, v22;
	v16 =	vsub.s32 $0x5F3759DF, v10  }
0xa5: {  	s22 =	simm.s32 $0x50;
	v29 =	vld [tilespmem:s0+$0x1000];
	[tilespmem:s21+$0x7000] =	vst v18;
	v20 =	vmul.f32 v28, v12;
	v22 =	vmul.f32 v19, v26;
	v18 =	vsub.f32 $0.0e+00, v18  }
0xa6: {  	v23 =	vmul.f32 v16, v13;
	v19 =	vld [tilespmem:s22+$0x3000];
	v10 =	vsub.f32 v24, v17;
	v17 =	vmul.f32 v6, v6  }
0xa7: {  	v21 =	vld [tilespmem:s22+$0x1800];
	v24 =	vmul.f32 v8, v8;
	v25 =	vmul.f32 v20, v28;
	v30 =	vsub.f32 $1.500000000e+00, v22;
	[tilespmem:s21+$0x5800] =	vst v18  }
0xa8: {  	v23 =	vmul.f32 v16, v23;
	v20 =	vld [tilespmem:s22+$0x3800];
	v31 =	vmul.f32 v10, v10  }
0xa9: {  	v22 =	vld [tilespmem:s22+$0x2000];
	v17 =	vadd.f32 v24, v17;
	v32 =	vsub.f32 $1.500000000e+00, v25;
	v30 =	vmul.f32 v30, v26  }
0xaa: {  	v15 =	vmul.f32 v27, v15;
	v18 =	vld [tilespmem:s22+$0x4000];
	v24 =	vmul.f32 v27, v14;
	v26 =	vsub.f32 $1.500000000e+00, v23  }
0xab: {  	s23 =	simm.s32 $0x180;
	v23 =	vld [tilespmem:s22+$0x2800];
	v25 =	vadd.f32 v31, v17;
	v17 =	vmul.f32 v32, v28;
	v14 =	vmul.f32 v30, v29  }
.LBB2_3:
0xac: {  	v27 =	vmul.f32 v16, v26;
	[tilespmem:s21+$0x6000] =	vst v24;
	v24 =	vsub.f32 $0.0e+00, v24;
	v28 =	vmovc v1;
	v1 =	vmov v6  }
0xad: {  	p1 =	sne.s32 s23, $0x1FC0;
	v6 =	vsub.f32 v19, v21;
	v29 =	vmovc v4;
	v4 =	vmovc v0;
	v0 =	vmov v2;
	v2 =	vmov v8;
	s24 =	smov.u32 s22  }
0xae: {  	v16 =	vshra.s32 v25, $0x1;
	v19 =	vmul.f32 v17, v12;
	v21 =	vmul.f32 v14, v11;
	[tilespmem:s21+$0x6800] =	vst v15;
	v12 =	vmovc v13  }
0xaf: {  	v13 =	vmul.f32 $5.000000000e-01, v25;
	v11 =	vmovc v7;
	v7 =	vmovc v9;
	v8 =	vsub.f32 v20, v22;
	v16 =	vsub.s32 $0x5F3759DF, v16;
	[tilespmem:s21+$0x4800] =	vst v24  }
0xb0: {  	s22 =	sshra.s32 s23, $0x2;
	v9 =	vmovc v10;
	v20 =	vmul.f32 v27, v12;
	v22 =	vmul.f32 v19, v17;
	v30 =	vld [tilespmem:s13+$0x1000];
	[tilespmem:s0+$0x7000] =	vst v21;
	v24 =	vsub.f32 $0.0e+00, v21  }
0xb1: {  	v19 =	vld [tilespmem:s22+$0x3000];
	v10 =	vsub.f32 v18, v23;
	v18 =	vmul.f32 v6, v6;
	v23 =	vmul.f32 v16, v13  }
.Ltmp0:
0xb2: {  	v25 =	vmul.f32 v8, v8;
	v26 =	vmul.f32 v20, v27;
	v21 =	vld [tilespmem:s22+$0x1800];
	v31 =	vsub.f32 $1.500000000e+00, v22;
	[tilespmem:s0+$0x5800] =	vst v24;
	(pc) =	sbr.rel @p1 .LBB2_3-.Ltmp0, $4  }
0xb3: {  	v33 =	vsub.f32 $0.0e+00, v15;
	v20 =	vld [tilespmem:s22+$0x3800];
	v32 =	vmul.f32 v10, v10;
	v23 =	vmul.f32 v16, v23  }
0xb4: {  	v25 =	vadd.f32 v25, v18;
	v34 =	vsub.f32 $1.500000000e+00, v26;
	v22 =	vld [tilespmem:s22+$0x2000];
	v31 =	vmul.f32 v31, v17  }
0xb5: {  	v15 =	vmul.f32 v14, v29;
	v24 =	vmul.f32 v14, v5;
	v5 =	vmovc v3;
	v18 =	vld [tilespmem:s22+$0x4000];
	v26 =	vsub.f32 $1.500000000e+00, v23;
	[tilespmem:s21+$0x5000] =	vst v33;
	s21 =	smov.u32 s0;
	s0 =	smov.u32 s13;
	s13 =	smov.u32 s18  }
0xb6: {  	s23 =	sadd.s32 $0x40, s23;
	v3 =	vmovc v28;
	v25 =	vadd.f32 v32, v25;
	v17 =	vmul.f32 v34, v27;
	s18 =	smov.u32 s20;
	s20 =	smov.u32 s24;
	v23 =	vld [tilespmem:s22+$0x2800];
	v14 =	vmul.f32 v31, v30  }
0xb7: {  	v19 =	vsub.f32 v19, v21  }
0xb8: {  	v16 =	vmul.f32 v16, v26;
	v60 =	vsub.f32 $0.0e+00, v24;
	v61 =	vshra.s32 v25, $0x1  }
0xb9: {  	v12 =	vmul.f32 v17, v12;
	v11 =	vmul.f32 v14, v11;
	v20 =	vsub.f32 v20, v22  }
0xba: {  	v62 =	vmul.f32 $5.000000000e-01, v25;
	v63 =	vsub.s32 $0x5F3759DF, v61;
	v31 =	vmul.f32 v16, v13  }
0xbb: {  	v32 =	vmul.f32 v19, v19;
	v18 =	vsub.f32 v18, v23;
	v33 =	vmul.f32 v20, v20  }
0xbc: {  	[tilespmem:s21+$0x6000] =	vst v24;
	v36 =	vsub.f32 $0.0e+00, v15;
	v12 =	vmul.f32 v12, v17;
	v27 =	vmul.f32 v63, v62  }
0xbd: {  	[tilespmem:s21+$0x6800] =	vst v15;
	v26 =	vmul.f32 v31, v16;
	v34 =	vmul.f32 v18, v18;
	v23 =	vadd.f32 v33, v32  }
0xbe: {  	[tilespmem:s21+$0x4800] =	vst v60;
	v28 =	vsub.f32 $0.0e+00, v11;
	v12 =	vsub.f32 $1.500000000e+00, v12;
	v27 =	vmul.f32 v63, v27  }
0xbf: {  	v35 =	vld [tilespmem:s13+$0x1000];
	v26 =	vsub.f32 $1.500000000e+00, v26;
	v37 =	vadd.f32 v34, v23  }
0xc0: {  	v5 =	vmul.f32 v14, v5;
	[tilespmem:s0+$0x7000] =	vst v11;
	v12 =	vmul.f32 v12, v17;
	v38 =	vsub.f32 $1.500000000e+00, v27  }
0xc1: {  	[tilespmem:s0+$0x5800] =	vst v28;
	v16 =	vmul.f32 v26, v16;
	v39 =	vshra.s32 v37, $0x1;
	v17 =	vmul.f32 $5.000000000e-01, v37  }
0xc2: {  	v4 =	vmul.f32 v14, v4;
	[tilespmem:s21+$0x5000] =	vst v36;
	v11 =	vmul.f32 v63, v38;
	v14 =	vsub.s32 $0x5F3759DF, v39  }
0xc3: {  	[tilespmem:s0+$0x6000] =	vst v5;
	v5 =	vsub.f32 $0.0e+00, v5;
	v40 =	vmul.f32 v16, v13;
	v41 =	vmul.f32 v14, v17  }
0xc4: {  	[tilespmem:s0+$0x6800] =	vst v4;
	v12 =	vmul.f32 v12, v35;
	v42 =	vmul.f32 v11, v62  }
0xc5: {  	[tilespmem:s0+$0x4800] =	vst v5;
	v13 =	vmul.f32 v40, v16;
	v43 =	vmul.f32 v14, v41  }
0xc6: {  	v44 =	vld [tilespmem:s18+$0x1000];
	v21 =	vmul.f32 v42, v11  }
0xc7: {  	v7 =	vmul.f32 v12, v7;
	v13 =	vsub.f32 $1.500000000e+00, v13;
	v5 =	vsub.f32 $1.500000000e+00, v43  }
0xc8: {  	v21 =	vsub.f32 $1.500000000e+00, v21  }
0xc9: {  	v45 =	vsub.f32 $0.0e+00, v7;
	v13 =	vmul.f32 v13, v16;
	v5 =	vmul.f32 v14, v5  }
0xca: {  	v4 =	vsub.f32 $0.0e+00, v4;
	v3 =	vmul.f32 v12, v3;
	[tilespmem:s13+$0x7000] =	vst v7;
	v46 =	vmul.f32 v21, v11  }
0xcb: {  	[tilespmem:s13+$0x5800] =	vst v45;
	v47 =	vmul.f32 v13, v44;
	v48 =	vmul.f32 v5, v17  }
0xcc: {  	v0 =	vmul.f32 v12, v0;
	[tilespmem:s0+$0x5000] =	vst v4;
	v49 =	vmul.f32 v46, v62  }
0xcd: {  	[tilespmem:s13+$0x6000] =	vst v3;
	v3 =	vsub.f32 $0.0e+00, v3;
	v9 =	vmul.f32 v47, v9;
	v11 =	vmul.f32 v48, v5  }
0xce: {  	[tilespmem:s13+$0x6800] =	vst v0  }
0xcf: {  	[tilespmem:s13+$0x4800] =	vst v3;
	v50 =	vmul.f32 v49, v46;
	v52 =	vsub.f32 $0.0e+00, v9;
	v11 =	vsub.f32 $1.500000000e+00, v11  }
0xd0: {  	v0 =	vsub.f32 $0.0e+00, v0;
	v51 =	vld [tilespmem:s20+$0x1000];
	[tilespmem:s18+$0x7000] =	vst v9  }
0xd1: {  	v1 =	vmul.f32 v47, v1;
	v3 =	vsub.f32 $1.500000000e+00, v50;
	[tilespmem:s18+$0x5800] =	vst v52;
	v5 =	vmul.f32 v11, v5  }
0xd2: {  	v2 =	vmul.f32 v47, v2;
	[tilespmem:s13+$0x5000] =	vst v0  }
0xd3: {  	v53 =	vmul.f32 v3, v46;
	[tilespmem:s18+$0x6000] =	vst v1;
	v1 =	vsub.f32 $0.0e+00, v1;
	v54 =	vmul.f32 v5, v17  }
0xd4: {  	[tilespmem:s18+$0x6800] =	vst v2  }
0xd5: {  	v0 =	vmul.f32 v53, v51;
	[tilespmem:s18+$0x4800] =	vst v1;
	v55 =	vmul.f32 v54, v5  }
0xd6: {  	v56 =	vld [tilespmem:s22+$0x1000]  }
0xd7: {  	v57 =	vmul.f32 v0, v10;
	v1 =	vsub.f32 $1.500000000e+00, v55;
	_ =	sdelay $0x1  }
0xd8: {  	v58 =	vsub.f32 $0.0e+00, v57;
	v1 =	vmul.f32 v1, v5  }
0xd9: {  	v2 =	vsub.f32 $0.0e+00, v2;
	[tilespmem:s20+$0x7000] =	vst v57  }
0xda: {  	v59 =	vmul.f32 v0, v6;
	[tilespmem:s20+$0x5800] =	vst v58;
	v1 =	vmul.f32 v1, v56  }
0xdb: {  	v0 =	vmul.f32 v0, v8;
	[tilespmem:s18+$0x5000] =	vst v2  }
0xdc: {  	v60 =	vsub.f32 $0.0e+00, v59;
	[tilespmem:s20+$0x6000] =	vst v59;
	v3 =	vmul.f32 v1, v18  }
0xdd: {  	[tilespmem:s20+$0x6800] =	vst v0  }
0xde: {  	[tilespmem:s20+$0x4800] =	vst v60;
	v61 =	vsub.f32 $0.0e+00, v3  }
0xdf: {  	v0 =	vsub.f32 $0.0e+00, v0;
	[tilespmem:s22+$0x7000] =	vst v3  }
0xe0: {  	v62 =	vmul.f32 v1, v19;
	[tilespmem:s22+$0x5800] =	vst v61  }
0xe1: {  	v1 =	vmul.f32 v1, v20;
	[tilespmem:s20+$0x5000] =	vst v0  }
0xe2: {  	v63 =	vsub.f32 $0.0e+00, v62;
	[tilespmem:s22+$0x6000] =	vst v62  }
0xe3: {  	[tilespmem:s22+$0x6800] =	vst v1;
	v1 =	vsub.f32 $0.0e+00, v1  }
0xe4: {  	[tilespmem:s22+$0x4800] =	vst v63  }
0xe5: {  	[tilespmem:s22+$0x5000] =	vst v1  }
0xe6: {  	[spmem:s5] =	stream.indirect.scatter.add.f32 [tilespmem:s30], [sflag:$0x2], $0x1, s9, s12, $0xb8;
	[tilespmem:$0x10AA0] =	vst v63  }
0xe7: {  	_ = 	snop  }
0xe8: {  	[spmem:s7] =	stream.indirect.scatter.add.f32 [tilespmem:s31], [sflag:$0x2], $0x1, s9, s12, $0xb8;
	[tilespmem:$0x10AA0] =	vst v63  }
0xe9: {  	_ = 	snop  }
0xea: {  	[spmem:s8] =	stream.indirect.scatter.add.f32 [tilespmem:s1], [sflag:$0x2], $0x1, s9, s12, $0xb8;
	[tilespmem:$0x10AA0] =	vst v63  }
0xeb: {  	_ = 	snop  }
0xec: {  	[spmem:s5] =	stream.indirect.scatter.add.f32 [tilespmem:s26], [sflag:$0x2], $0x1, s12, s12, $0xb8;
	[tilespmem:$0x10AA0] =	vst v63  }
0xed: {  	_ = 	snop  }
0xee: {  	[spmem:s7] =	stream.indirect.scatter.add.f32 [tilespmem:s14], [sflag:$0x2], $0x1, s12, s12, $0xb8;
	[tilespmem:$0x10AA0] =	vst v63  }
0xef: {  	_ = 	snop  }
0xf0: {  	[spmem:s8] =	stream.indirect.scatter.add.f32 [tilespmem:s25], [sflag:$0x2], $0x1, s12, s12, $0xb8;
	[tilespmem:$0x10AA0] =	vst v63  }
0xf1: {  	_ =	swait.ge [sflag:s15], $0x800  }
0xf2: {  	[sflag:s15] =	ssyncset.done $0x0  }
0xf3: {  	[sflag:s15] =	ssyncadd.s32 $0xFFFFF800  }
0xf4: {  	_ =	swait.ge [sflag:s15], $0x800  }
0xf5: {  	[sflag:s15] =	ssyncset.done $0x0  }
0xf6: {  	[sflag:s15] =	ssyncadd.s32 $0xFFFFF800  }
0xf7: {  	_ =	swait.ge [sflag:s15], $0x800  }
0xf8: {  	[sflag:s15] =	ssyncset.done $0x0  }
0xf9: {  	[sflag:s15] =	ssyncadd.s32 $0xFFFFF800  }
0xfa: {  	_ =	swait.ge [sflag:s15], $0x800  }
0xfb: {  	[sflag:s15] =	ssyncset.done $0x0  }
0xfc: {  	s17 =	sadd.s32 $0x1, s17;
	[sflag:s15] =	ssyncadd.s32 $0xFFFFF800  }
0xfd: {  	p1 =	sne.s32 s17, s16;
	_ =	swait.ge [sflag:s15], $0x800  }
.Ltmp1:
0xfe: {  	[sflag:s15] =	ssyncset.done $0x0;
	(pc) =	sbr.rel @p1 .LBB2_2-.Ltmp1, $4  }
0xff: {  	[sflag:s15] =	ssyncadd.s32 $0xFFFFF800  }
0x100: {  	_ =	swait.ge [sflag:s15], $0x800  }
0x101: {  	[sflag:s15] =	ssyncset.done $0x0  }
0x102: {  	[sflag:s15] =	ssyncadd.s32 $0xFFFFF800  }
0x103: {  	[bflag:$0x0] =	sbarrier.arrive $0xFFFF  }
0x104: {  	s21 =	rddreg [dreg:$0xd]  }
0x105: {  	s17 =	rddreg [dreg:$0xb]  }
0x106: {  	s13 =	rddreg [dreg:$0x10];
	s0 =	sshrl.u32 s21, $0x3  }
0x107: {  	[hbm:s13], [sflag:s17] =	dma.local [spmem:s0], $0x30E  }
0x108: {  	_ =	swait.ge [sflag:s6], $0x30E  }
0x109: {  	[sflag:s6] =	ssyncset.done $0x0;
	s22 =	rddreg [dreg:$0xe]  }
0x10a: {  	s24 =	rddreg [dreg:$0x11];
	[sflag:s6] =	ssyncadd.s32 $0xFFFFFCF2;
	s23 =	sshrl.u32 s22, $0x3  }
0x10b: {  	[hbm:s24], [sflag:s17] =	dma.local [spmem:s23], $0x30E  }
0x10c: {  	_ =	swait.ge [sflag:s6], $0x30E  }
0x10d: {  	[sflag:s6] =	ssyncset.done $0x0;
	s18 =	rddreg [dreg:$0x12]  }
0x10e: {  	s20 =	rddreg [dreg:$0x1d];
	[sflag:s6] =	ssyncadd.s32 $0xFFFFFCF2  }
0x10f: {  	[hbm:s18], [sflag:s17] =	dma.local [spmem:s20], $0x30E  }
0x110: {  	_ =	swait.ge [sflag:s6], $0x30E  }
0x111: {  	s23 =	rddreg [dreg:$0x1c]  }
0x112: {  	s24 =	rddreg [dreg:$0x13];
	s13 =	sadd.s32 $0x1, s23  }
0x113: {  	p1 =	sne.s32 s13, s24  }
.Ltmp2:
0x114: {  	_ = 	snop;
	(pc) =	sbr.rel @p1 .LBB2_1-.Ltmp2, $3  }
0x115: {  	_ =	sdelay $0x1  }
0x116: {  	[sflag:s6] =	ssyncset.done $0x0  }
0x117: {  	[sflag:s6] =	ssyncadd.s32 $0xFFFFFCF2  }
0x118: {  	_ =	sfence.sel $0x180000  }
0x119: {  	[bflag:$0x0] =	sbarrier.arrive $0xFFFF  }
0x11a: {  	_ =	strace $0x90000047  }
0x11b: {  	s0 =	stileid.u32;
	[bflag:$0x2] =	sbarrier.arrive $0xFFFF  }
0x11c: {  	p0 =	sne.s32 s0, $0x0;
	s0 =	rddreg [dreg:$0x9]  }
0x11d: {  	s0 =	sadd.s32 @!p0 $0x100000, s0  }
0x11e: {  	[sflag:s0] =	ssyncadd.tile.s32 @!p0 $0x1;
	_ =	shalt  }
.Lfunc_end2:
_tile_overlayer_lowered:
.L_overlay_start_2:
0x11f: {  	(tag) =	ssettag $0x2  }
0x120: {  	s0 =	rddreg [dreg:$0x0];
	s2 =	stileid.u32  }
0x121: {  	s1 =	rddreg [dreg:$0x1];
	p0 =	sne.s32 s2, $0x0  }
0x122: {  	s3 =	rddreg [dreg:$0x2];
	[bflag:$0x3] =	sbarrier.arrive $0xFFFF;
	s2 =	simm.s32 @!p0 $0x1C03  }
0x123: {  	[timem:s3], [sflag:s2] =	dma.local @!p0 [hbm:s0], s1  }
0x124: {  	s0 =	simm.s32 @!p0 $0x3  }
0x125: {  	_ =	swait.ge @!p0 [sflag:s0], s1  }
0x126: {  	s1 =	ssub.s32 @!p0 $0x0, s1;
	[sflag:s0] =	ssyncset.done @!p0 $0x0  }
0x127: {  	[sflag:s0] =	ssyncadd.s32 @!p0 s1  }
0x128: {  	[bflag:$0x3] =	sbarrier.arrive $0xFFFF  }
0x129: {  	_ =	shalt  }

</sc_bundles>
